<compile_context>
chip_gen: v7x
topology: tpu7x:2x2x1
jax: 0.10.2.dev20260603
libtpu: 0.0.44.dev20260713+nightly
codegen_flags: <defaults>
</compile_context>

<pallas_src>
import functools

import jax
import jax.numpy as jnp
from jax import lax
from jax.experimental import pallas as pl
from jax.experimental.pallas import tpu as pltpu
from jax.experimental.pallas import tpu_sc as plsc

N = 1000
C = 151
NMS_THRESH = 0.3
BN_EPS = 1e-5
NP = 1024
NCHUNK = NP // 16
NCLS = C - 1

_info = plsc.get_sparse_core_info()
_NC = _info.num_cores
_NS = _info.num_subcores
_NW = _NC * _NS
_CPW = -(-NCLS // _NW)

_HIGH = jax.lax.Precision.HIGHEST


def _dot(a, b):
    return jnp.dot(a.astype(jnp.bfloat16), b.astype(jnp.bfloat16),
                   preferred_element_type=jnp.float32)


def _dense_body(fm, lg, pri, embw, w1t, b1, g, bta, mu, var, dw1t, dw2t, dw3t,
                db, d2_ref, pr_ref):
    l = lg[:]
    m = jnp.max(l, axis=1, keepdims=True)
    e = jnp.exp(l - m)
    p = e / jnp.sum(e, axis=1, keepdims=True)
    emb = _dot(p, embw[:])

    bp = pri[:]
    wh = bp[:, 2:4] - bp[:, 0:2] + 1.0
    ctr = bp[:, 0:2] + 0.5 * wh
    cs = jnp.concatenate([ctr, wh], axis=1)
    bn = (cs - mu[:]) / jnp.sqrt(var[:] + BN_EPS) * g[:] + bta[:]
    pos = jnp.maximum(_dot(bn, w1t[:]) + b1[:], 0.0)

    d2 = _dot(fm[:], dw1t[:]) + _dot(emb, dw2t[:]) + _dot(pos, dw3t[:]) + db[:]
    d2_ref[:] = d2

    m2 = jnp.max(d2, axis=1, keepdims=True)
    e2 = jnp.exp(d2 - m2)
    pr_ref[:] = e2 / jnp.sum(e2, axis=1, keepdims=True)


_dense_call = pl.pallas_call(
    _dense_body,
    out_shape=(jax.ShapeDtypeStruct((N, C), jnp.float32),
               jax.ShapeDtypeStruct((N, C), jnp.float32)),
)


def _nms_body(sc_hbm, x1_hbm, y1_hbm, x2_hbm, y2_hbm, out_hbm,
              sc_v, x1_v, y1_v, x2_v, y2_v, ar_v, kp_v):
    wid = lax.axis_index("c") * _NS + lax.axis_index("s")
    iota16 = lax.iota(jnp.int32, 16)
    big = jnp.int32(1 << 30)

    def xlane(v, s):
        return v.at[iota16 ^ s].get(mode="promise_in_bounds")

    def chunk_max(j, mv):
        return jnp.maximum(mv, sc_v[pl.ds(j * 16, 16)])

    def find_max():
        mv = lax.fori_loop(0, NCHUNK, chunk_max,
                           jnp.full((16,), -2.0, jnp.float32))
        for s in (8, 4, 2, 1):
            mv = jnp.maximum(mv, xlane(mv, s))

        def chunk_idx(j, iv):
            v = sc_v[pl.ds(j * 16, 16)]
            return jnp.minimum(iv, jnp.where(v == mv, iota16 + j * 16, big))

        iv = lax.fori_loop(0, NCHUNK, chunk_idx, jnp.full((16,), big, jnp.int32))
        for s in (8, 4, 2, 1):
            iv = jnp.minimum(iv, xlane(iv, s))
        return mv[0], iv[0]

    def per_class(k, _):
        c = k * _NW + wid

        @pl.when(c < NCLS)
        def _():
            pltpu.sync_copy(sc_hbm.at[c], sc_v)
            pltpu.sync_copy(x1_hbm.at[c], x1_v)
            pltpu.sync_copy(y1_hbm.at[c], y1_v)
            pltpu.sync_copy(x2_hbm.at[c], x2_v)
            pltpu.sync_copy(y2_hbm.at[c], y2_v)

            def init(j, _c):
                ds = pl.ds(j * 16, 16)
                ar_v[ds] = (x2_v[ds] - x1_v[ds] + 1.0) * (y2_v[ds] - y1_v[ds] + 1.0)
                kp_v[ds] = jnp.zeros((16,), jnp.float32)
                return 0

            lax.fori_loop(0, NCHUNK, init, 0)

            def body(st):
                _m, i = st
                ci = i // 16
                lane = i - ci * 16
                dsi = pl.ds(ci * 16, 16)
                lane_splat = jnp.zeros((16,), jnp.int32) + lane

                def pick(ref):
                    return ref[dsi].at[lane_splat].get(mode="promise_in_bounds")

                bx1 = pick(x1_v)
                by1 = pick(y1_v)
                bx2 = pick(x2_v)
                by2 = pick(y2_v)
                bar = pick(ar_v)
                kc = kp_v[dsi]
                kp_v[dsi] = jnp.where(iota16 == lane, 1.0, kc)

                def sup(j, mv):
                    ds = pl.ds(j * 16, 16)
                    xx1 = jnp.maximum(bx1, x1_v[ds])
                    yy1 = jnp.maximum(by1, y1_v[ds])
                    xx2 = jnp.minimum(bx2, x2_v[ds])
                    yy2 = jnp.minimum(by2, y2_v[ds])
                    w = jnp.maximum(xx2 - xx1 + 1.0, 0.0)
                    h = jnp.maximum(yy2 - yy1 + 1.0, 0.0)
                    inter = w * h
                    iou = inter / ((bar + ar_v[ds]) - inter)
                    sv = sc_v[ds]
                    nsv = jnp.where(iou > NMS_THRESH, -1.0, sv)
                    sc_v[ds] = nsv
                    return jnp.maximum(mv, nsv)

                mv = lax.fori_loop(0, NCHUNK, sup,
                                   jnp.full((16,), -2.0, jnp.float32))
                for s in (8, 4, 2, 1):
                    mv = jnp.maximum(mv, xlane(mv, s))

                def chunk_idx(j, iv):
                    v = sc_v[pl.ds(j * 16, 16)]
                    return jnp.minimum(
                        iv, jnp.where(v == mv, iota16 + j * 16, big))

                iv = lax.fori_loop(0, NCHUNK, chunk_idx,
                                   jnp.full((16,), big, jnp.int32))
                for s in (8, 4, 2, 1):
                    iv = jnp.minimum(iv, xlane(iv, s))
                return mv[0], iv[0]

            def step(_s, st):
                return lax.cond(st[0] > -0.5, body, lambda s: s, st)

            lax.fori_loop(0, NP, step, find_max())
            pltpu.sync_copy(kp_v, out_hbm.at[c])

        return 0

    lax.fori_loop(0, _CPW, per_class, 0)


_nms_call = pl.kernel(
    _nms_body,
    out_type=jax.ShapeDtypeStruct((NCLS, NP), jnp.float32),
    mesh=plsc.VectorSubcoreMesh(core_axis_name="c", subcore_axis_name="s"),
    scratch_types=[pltpu.VMEM((NP,), jnp.float32) for _ in range(7)],
)


def _argmax_body(pr, mk, out_ref):
    x = pr[:] * mk[:]
    iota = lax.broadcasted_iota(jnp.int32, (N, C), 1)
    valid = iota >= 1
    xv = jnp.where(valid, x, -1.0)
    m = jnp.max(xv, axis=1, keepdims=True)
    idx = jnp.min(jnp.where((xv == m) & valid, iota, jnp.int32(1 << 30)),
                  axis=1, keepdims=True)
    out_ref[:] = idx


_argmax_call = pl.pallas_call(
    _argmax_body,
    out_shape=jax.ShapeDtypeStruct((N, 1), jnp.int32),
)


def kernel(obj_fmaps, obj_logits, im_inds, box_priors, boxes_per_cls,
           obj_embed_weight, bn_gamma, bn_beta, bn_mean, bn_var,
           lin1_W, lin1_b, dec_W, dec_b):
    d2, probs = _dense_call(
        obj_fmaps, obj_logits, box_priors, obj_embed_weight,
        lin1_W.T, lin1_b.reshape(1, -1),
        bn_gamma.reshape(1, -1), bn_beta.reshape(1, -1),
        bn_mean.reshape(1, -1), bn_var.reshape(1, -1),
        dec_W[:, :4096].T, dec_W[:, 4096:4116].T, dec_W[:, 4116:].T,
        dec_b.reshape(1, -1))

    scoresT = jnp.pad(probs[:, 1:].T, ((0, 0), (0, NP - N)),
                      constant_values=-1.0)
    bt = jnp.swapaxes(boxes_per_cls, 0, 1)[1:]
    pads = ((0, 0), (0, NP - N))
    x1t = jnp.pad(bt[..., 0], pads)
    y1t = jnp.pad(bt[..., 1], pads)
    x2t = jnp.pad(bt[..., 2], pads)
    y2t = jnp.pad(bt[..., 3], pads)

    mask = _nms_call(scoresT, x1t, y1t, x2t, y2t)

    mask_full = jnp.concatenate(
        [jnp.zeros((N, 1), jnp.float32), mask[:, :N].T], axis=1)
    preds = _argmax_call(probs, mask_full)
    return d2, preds.reshape(N)

# --- scband reference (transcript-rebuilt; emitter-appended) ---
"""Pipeline reference for scband-lc-33131377721760 (READ-ONLY COPY).

The authoritative reference and input builder live on the scoring server;
editing this copy changes nothing except your own understanding.
"""

import jax, jax.numpy as jnp
import numpy as np

N = 1000
C = 151
OBJ_DIM = 4096
EMBED_DIM = 20
HID = 128
BN_EPS = 1e-5
NMS_THRESH = 0.3


def apply_nms(scores, boxes, nms_thresh):
    order = jnp.argsort(-scores, stable=True)
    b = boxes[order]
    x1, y1, x2, y2 = b[:, 0], b[:, 1], b[:, 2], b[:, 3]
    areas = (x2 - x1 + 1.0) * (y2 - y1 + 1.0)
    xx1 = jnp.maximum(x1[:, None], x1[None, :])
    yy1 = jnp.maximum(y1[:, None], y1[None, :])
    xx2 = jnp.minimum(x2[:, None], x2[None, :])
    yy2 = jnp.minimum(y2[:, None], y2[None, :])
    w = jnp.maximum(xx2 - xx1 + 1.0, 0.0)
    h = jnp.maximum(yy2 - yy1 + 1.0, 0.0)
    inter = w * h
    iou = inter / (areas[:, None] + areas[None, :] - inter)
    n = scores.shape[0]

    def body(i, state):
        suppressed, keep = state
        sup_i = suppressed[i]
        keep = keep.at[i].set(jnp.where(sup_i, keep[i], True))
        new_sup = suppressed | (iou[i] > nms_thresh)
        suppressed = jnp.where(sup_i, suppressed, new_sup)
        return suppressed, keep

    suppressed0 = jnp.zeros((n,), dtype=bool)
    keep0 = jnp.zeros((n,), dtype=bool)
    _, keep = jax.lax.fori_loop(0, n, body, (suppressed0, keep0))
    mask = jnp.zeros((n,), dtype=jnp.float32).at[order].set(keep.astype(jnp.float32))
    return mask


def center_size(boxes):
    wh = boxes[:, 2:] - boxes[:, :2] + 1.0
    ctr = boxes[:, :2] + 0.5 * wh
    return jnp.concatenate([ctr, wh], axis=1)


def setup_inputs(seed: int = 0):
    key = jax.random.key(seed)
    ks = jax.random.split(key, 10)
    obj_fmaps = jax.random.normal(ks[0], (N, OBJ_DIM), dtype=jnp.float32)
    obj_logits = jax.random.normal(ks[1], (N, C), dtype=jnp.float32)
    im_inds = jnp.sort(jax.random.randint(ks[2], (N,), 0, 16))
    u = jax.random.uniform(ks[3], (N, 4), dtype=jnp.float32)
    xy = u[:, :2] * 500.0
    wh = u[:, 2:] * 100.0 + 1.0
    box_priors = jnp.concatenate([xy, xy + wh], axis=1)
    u2 = jax.random.uniform(ks[4], (N, C, 4), dtype=jnp.float32)
    xy2 = u2[..., :2] * 500.0
    wh2 = u2[..., 2:] * 100.0 + 1.0
    boxes_per_cls = jnp.concatenate([xy2, xy2 + wh2], axis=-1)
    obj_embed_weight = jax.random.normal(ks[5], (C, EMBED_DIM), dtype=jnp.float32)
    bn_gamma = jnp.ones((4,), jnp.float32)
    bn_beta = jnp.zeros((4,), jnp.float32)
    bn_mean = jnp.zeros((4,), jnp.float32)
    bn_var = jnp.ones((4,), jnp.float32)
    lim1 = 1.0 / np.sqrt(4.0)
    lin1_W = jax.random.uniform(ks[6], (HID, 4), minval=-lim1, maxval=lim1, dtype=jnp.float32)
    lin1_b = jax.random.uniform(ks[7], (HID,), minval=-lim1, maxval=lim1, dtype=jnp.float32)
    din = OBJ_DIM + EMBED_DIM + HID
    lim2 = 1.0 / np.sqrt(float(din))
    dec_W = jax.random.uniform(ks[8], (C, din), minval=-lim2, maxval=lim2, dtype=jnp.float32)
    dec_b = jax.random.uniform(ks[9], (C,), minval=-lim2, maxval=lim2, dtype=jnp.float32)
    return {"obj_fmaps": obj_fmaps, "obj_logits": obj_logits, "im_inds": im_inds,
            "box_priors": box_priors, "boxes_per_cls": boxes_per_cls,
            "obj_embed_weight": obj_embed_weight, "bn_gamma": bn_gamma, "bn_beta": bn_beta,
            "bn_mean": bn_mean, "bn_var": bn_var, "lin1_W": lin1_W, "lin1_b": lin1_b,
            "dec_W": dec_W, "dec_b": dec_b}


def reference(obj_fmaps, obj_logits, im_inds, box_priors, boxes_per_cls,
              obj_embed_weight, bn_gamma, bn_beta, bn_mean, bn_var,
              lin1_W, lin1_b, dec_W, dec_b):
    # soft label embedding: softmax(logits) @ embed table
    obj_embed = jax.nn.softmax(obj_logits, axis=1) @ obj_embed_weight
    # pos_embed = Dropout(ReLU(Linear(BatchNorm1d(center_size(boxes))))) in eval mode
    cs = center_size(box_priors)
    bn = (cs - bn_mean) / jnp.sqrt(bn_var + BN_EPS) * bn_gamma + bn_beta
    pos_embed = jax.nn.relu(bn @ lin1_W.T + lin1_b)
    obj_pre_rep = jnp.concatenate([obj_fmaps, obj_embed, pos_embed], axis=1)
    obj_dists2 = obj_pre_rep @ dec_W.T + dec_b
    # sgdet eval branch: per-class NMS mask
    probs = jax.nn.softmax(obj_dists2, axis=1)
    n_rows = probs.shape[0]
    n_cls = probs.shape[1]
    scores_all = probs.T[1:n_cls]
    boxes_all = jnp.swapaxes(boxes_per_cls, 0, 1)[1:n_cls]

    def per_class(args):
        s, bx = args
        return apply_nms(s, bx, NMS_THRESH)

    masks = jax.lax.map(per_class, (scores_all, boxes_all))
    nms_mask = jnp.concatenate(
        [jnp.zeros((n_rows, 1), dtype=jnp.float32), masks.T], axis=1)
    masked = nms_mask * probs
    obj_preds = jnp.argmax(masked[:, 1:], axis=1) + 1
    return (obj_dists2, obj_preds)

if __name__ == "__main__":
    import jax
    _d = setup_inputs()
    print(jax.jit(kernel)(*tuple(_d.values())))

</pallas_src>

<mosaic_0001>
#map = affine_map<(d0, d1) -> (0, 0)>
module attributes {stable_mosaic.version = 14 : i64} {
  func.func @_nms_body(%arg0: i32, %arg1: i32, %arg2: memref<150x1024xf32, #tpu.memory_space<hbm>>, %arg3: memref<150x1024xf32, #tpu.memory_space<hbm>>, %arg4: memref<150x1024xf32, #tpu.memory_space<hbm>>, %arg5: memref<150x1024xf32, #tpu.memory_space<hbm>>, %arg6: memref<150x1024xf32, #tpu.memory_space<hbm>>, %arg7: memref<150x1024xf32, #tpu.memory_space<hbm>>, %arg8: memref<1024xf32, #tpu.memory_space<vmem>>, %arg9: memref<1024xf32, #tpu.memory_space<vmem>>, %arg10: memref<1024xf32, #tpu.memory_space<vmem>>, %arg11: memref<1024xf32, #tpu.memory_space<vmem>>, %arg12: memref<1024xf32, #tpu.memory_space<vmem>>, %arg13: memref<1024xf32, #tpu.memory_space<vmem>>, %arg14: memref<1024xf32, #tpu.memory_space<vmem>>) attributes {dimension_semantics = [#tpu.dimension_semantics<core_parallel>, #tpu.dimension_semantics<subcore_parallel>], iteration_bounds = array<i64: 2, 16>, scalar_prefetch = 0 : i64, scratch_operands = 7 : i64, tpu.core_type = #tpu.core_type<sc_vector_subcore>, window_params = [{transform_indices = #map}, {transform_indices = #map}, {transform_indices = #map}, {transform_indices = #map}, {transform_indices = #map}, {transform_indices = #map}]} {
    %mul3A = arith.constant 16 : i32
    %mul3A_0 = arith.muli %arg0, %mul3A : i32
    %add3A = arith.addi %mul3A_0, %arg1 : i32
    %iota3A = tpu.iota {dimensions = array<i32: 0>} : vector<16xi32>
    %scan3A = arith.constant 1073741824 : i32
    %scan3A_1 = arith.constant 0 : i32
    %scan3A_2 = arith.constant 0 : i32
    %scan3A_3 = arith.constant 5 : i32
    %scan3A_4 = arith.addi %scan3A_2, %scan3A_3 : i32
    %scan3A_5 = arith.constant 1 : i32
    %scan3A_6 = scf.for %scan3A_8 = %scan3A_2 to %scan3A_4 step %scan3A_5 iter_args(%scan3A_9 = %scan3A_1) -> (i32)  : i32 {
      %mul3A_10 = arith.constant 32 : i32
      %mul3A_11 = arith.muli %scan3A_8, %mul3A_10 : i32
      %add3A_12 = arith.addi %mul3A_11, %add3A : i32
      %lt3A = arith.constant 150 : i32
      %lt3A_13 = arith.cmpi slt, %add3A_12, %lt3A : i32
      %convert_element_type3A = arith.extui %lt3A_13 : i1 to i32
      %cond3A = arith.constant 0 : i32
      %cond3A_14 = arith.cmpi ne, %convert_element_type3A, %cond3A : i32
      scf.if %cond3A_14 {
        "tpu.region"() ({
          %run_scoped3A = tpu.sem_alloc : memref<!tpu.dma_semaphore, #tpu.memory_space<semaphore_mem>>
          %dma_start3A = arith.constant 0 : i32
          %dma_start3A_152 = tpu.memref_slice %arg2[%add3A_12, %dma_start3A] : memref<150x1024xf32, #tpu.memory_space<hbm>> -> memref<1x1024xf32, #tpu.memory_space<hbm>>
          %dma_start3A_153 = tpu.memref_squeeze %dma_start3A_152 : memref<1x1024xf32, #tpu.memory_space<hbm>> -> memref<1024xf32, #tpu.memory_space<hbm>>
          %dma_start3A_154 = arith.constant 0 : i32
          %dma_start3A_155 = tpu.memref_slice %arg2[%add3A_12, %dma_start3A_154] : memref<150x1024xf32, #tpu.memory_space<hbm>> -> memref<1x1024xf32, #tpu.memory_space<hbm>>
          %dma_start3A_156 = tpu.memref_squeeze %dma_start3A_155 : memref<1x1024xf32, #tpu.memory_space<hbm>> -> memref<1024xf32, #tpu.memory_space<hbm>>
          tpu.enqueue_dma source(%dma_start3A_156 : memref<1024xf32, #tpu.memory_space<hbm>>) target(%arg8 : memref<1024xf32, #tpu.memory_space<vmem>>) target_semaphore(%run_scoped3A : memref<!tpu.dma_semaphore, #tpu.memory_space<semaphore_mem>>)
          %dma_wait3A = arith.constant 0 : i32
          %dma_wait3A_157 = tpu.memref_slice %arg2[%add3A_12, %dma_wait3A] : memref<150x1024xf32, #tpu.memory_space<hbm>> -> memref<1x1024xf32, #tpu.memory_space<hbm>>
          %dma_wait3A_158 = tpu.memref_squeeze %dma_wait3A_157 : memref<1x1024xf32, #tpu.memory_space<hbm>> -> memref<1024xf32, #tpu.memory_space<hbm>>
          %dma_wait3A_159 = arith.constant 0 : i32
          %dma_wait3A_160 = tpu.memref_slice %arg2[%add3A_12, %dma_wait3A_159] : memref<150x1024xf32, #tpu.memory_space<hbm>> -> memref<1x1024xf32, #tpu.memory_space<hbm>>
          %dma_wait3A_161 = tpu.memref_squeeze %dma_wait3A_160 : memref<1x1024xf32, #tpu.memory_space<hbm>> -> memref<1024xf32, #tpu.memory_space<hbm>>
          tpu.wait_dma2 semaphore(%run_scoped3A : memref<!tpu.dma_semaphore, #tpu.memory_space<semaphore_mem>>) src(%dma_wait3A_161 : memref<1024xf32, #tpu.memory_space<hbm>>) dst(%arg8 : memref<1024xf32, #tpu.memory_space<vmem>>)
          tpu.yield
        }) : () -> ()
        "tpu.region"() ({
          %run_scoped3A = tpu.sem_alloc : memref<!tpu.dma_semaphore, #tpu.memory_space<semaphore_mem>>
          %dma_start3A = arith.constant 0 : i32
          %dma_start3A_152 = tpu.memref_slice %arg3[%add3A_12, %dma_start3A] : memref<150x1024xf32, #tpu.memory_space<hbm>> -> memref<1x1024xf32, #tpu.memory_space<hbm>>
          %dma_start3A_153 = tpu.memref_squeeze %dma_start3A_152 : memref<1x1024xf32, #tpu.memory_space<hbm>> -> memref<1024xf32, #tpu.memory_space<hbm>>
          %dma_start3A_154 = arith.constant 0 : i32
          %dma_start3A_155 = tpu.memref_slice %arg3[%add3A_12, %dma_start3A_154] : memref<150x1024xf32, #tpu.memory_space<hbm>> -> memref<1x1024xf32, #tpu.memory_space<hbm>>
          %dma_start3A_156 = tpu.memref_squeeze %dma_start3A_155 : memref<1x1024xf32, #tpu.memory_space<hbm>> -> memref<1024xf32, #tpu.memory_space<hbm>>
          tpu.enqueue_dma source(%dma_start3A_156 : memref<1024xf32, #tpu.memory_space<hbm>>) target(%arg9 : memref<1024xf32, #tpu.memory_space<vmem>>) target_semaphore(%run_scoped3A : memref<!tpu.dma_semaphore, #tpu.memory_space<semaphore_mem>>)
          %dma_wait3A = arith.constant 0 : i32
          %dma_wait3A_157 = tpu.memref_slice %arg3[%add3A_12, %dma_wait3A] : memref<150x1024xf32, #tpu.memory_space<hbm>> -> memref<1x1024xf32, #tpu.memory_space<hbm>>
          %dma_wait3A_158 = tpu.memref_squeeze %dma_wait3A_157 : memref<1x1024xf32, #tpu.memory_space<hbm>> -> memref<1024xf32, #tpu.memory_space<hbm>>
          %dma_wait3A_159 = arith.constant 0 : i32
          %dma_wait3A_160 = tpu.memref_slice %arg3[%add3A_12, %dma_wait3A_159] : memref<150x1024xf32, #tpu.memory_space<hbm>> -> memref<1x1024xf32, #tpu.memory_space<hbm>>
          %dma_wait3A_161 = tpu.memref_squeeze %dma_wait3A_160 : memref<1x1024xf32, #tpu.memory_space<hbm>> -> memref<1024xf32, #tpu.memory_space<hbm>>
          tpu.wait_dma2 semaphore(%run_scoped3A : memref<!tpu.dma_semaphore, #tpu.memory_space<semaphore_mem>>) src(%dma_wait3A_161 : memref<1024xf32, #tpu.memory_space<hbm>>) dst(%arg9 : memref<1024xf32, #tpu.memory_space<vmem>>)
          tpu.yield
        }) : () -> ()
        "tpu.region"() ({
          %run_scoped3A = tpu.sem_alloc : memref<!tpu.dma_semaphore, #tpu.memory_space<semaphore_mem>>
          %dma_start3A = arith.constant 0 : i32
          %dma_start3A_152 = tpu.memref_slice %arg4[%add3A_12, %dma_start3A] : memref<150x1024xf32, #tpu.memory_space<hbm>> -> memref<1x1024xf32, #tpu.memory_space<hbm>>
          %dma_start3A_153 = tpu.memref_squeeze %dma_start3A_152 : memref<1x1024xf32, #tpu.memory_space<hbm>> -> memref<1024xf32, #tpu.memory_space<hbm>>
          %dma_start3A_154 = arith.constant 0 : i32
          %dma_start3A_155 = tpu.memref_slice %arg4[%add3A_12, %dma_start3A_154] : memref<150x1024xf32, #tpu.memory_space<hbm>> -> memref<1x1024xf32, #tpu.memory_space<hbm>>
          %dma_start3A_156 = tpu.memref_squeeze %dma_start3A_155 : memref<1x1024xf32, #tpu.memory_space<hbm>> -> memref<1024xf32, #tpu.memory_space<hbm>>
          tpu.enqueue_dma source(%dma_start3A_156 : memref<1024xf32, #tpu.memory_space<hbm>>) target(%arg10 : memref<1024xf32, #tpu.memory_space<vmem>>) target_semaphore(%run_scoped3A : memref<!tpu.dma_semaphore, #tpu.memory_space<semaphore_mem>>)
          %dma_wait3A = arith.constant 0 : i32
          %dma_wait3A_157 = tpu.memref_slice %arg4[%add3A_12, %dma_wait3A] : memref<150x1024xf32, #tpu.memory_space<hbm>> -> memref<1x1024xf32, #tpu.memory_space<hbm>>
          %dma_wait3A_158 = tpu.memref_squeeze %dma_wait3A_157 : memref<1x1024xf32, #tpu.memory_space<hbm>> -> memref<1024xf32, #tpu.memory_space<hbm>>
          %dma_wait3A_159 = arith.constant 0 : i32
          %dma_wait3A_160 = tpu.memref_slice %arg4[%add3A_12, %dma_wait3A_159] : memref<150x1024xf32, #tpu.memory_space<hbm>> -> memref<1x1024xf32, #tpu.memory_space<hbm>>
          %dma_wait3A_161 = tpu.memref_squeeze %dma_wait3A_160 : memref<1x1024xf32, #tpu.memory_space<hbm>> -> memref<1024xf32, #tpu.memory_space<hbm>>
          tpu.wait_dma2 semaphore(%run_scoped3A : memref<!tpu.dma_semaphore, #tpu.memory_space<semaphore_mem>>) src(%dma_wait3A_161 : memref<1024xf32, #tpu.memory_space<hbm>>) dst(%arg10 : memref<1024xf32, #tpu.memory_space<vmem>>)
          tpu.yield
        }) : () -> ()
        "tpu.region"() ({
          %run_scoped3A = tpu.sem_alloc : memref<!tpu.dma_semaphore, #tpu.memory_space<semaphore_mem>>
          %dma_start3A = arith.constant 0 : i32
          %dma_start3A_152 = tpu.memref_slice %arg5[%add3A_12, %dma_start3A] : memref<150x1024xf32, #tpu.memory_space<hbm>> -> memref<1x1024xf32, #tpu.memory_space<hbm>>
          %dma_start3A_153 = tpu.memref_squeeze %dma_start3A_152 : memref<1x1024xf32, #tpu.memory_space<hbm>> -> memref<1024xf32, #tpu.memory_space<hbm>>
          %dma_start3A_154 = arith.constant 0 : i32
          %dma_start3A_155 = tpu.memref_slice %arg5[%add3A_12, %dma_start3A_154] : memref<150x1024xf32, #tpu.memory_space<hbm>> -> memref<1x1024xf32, #tpu.memory_space<hbm>>
          %dma_start3A_156 = tpu.memref_squeeze %dma_start3A_155 : memref<1x1024xf32, #tpu.memory_space<hbm>> -> memref<1024xf32, #tpu.memory_space<hbm>>
          tpu.enqueue_dma source(%dma_start3A_156 : memref<1024xf32, #tpu.memory_space<hbm>>) target(%arg11 : memref<1024xf32, #tpu.memory_space<vmem>>) target_semaphore(%run_scoped3A : memref<!tpu.dma_semaphore, #tpu.memory_space<semaphore_mem>>)
          %dma_wait3A = arith.constant 0 : i32
          %dma_wait3A_157 = tpu.memref_slice %arg5[%add3A_12, %dma_wait3A] : memref<150x1024xf32, #tpu.memory_space<hbm>> -> memref<1x1024xf32, #tpu.memory_space<hbm>>
          %dma_wait3A_158 = tpu.memref_squeeze %dma_wait3A_157 : memref<1x1024xf32, #tpu.memory_space<hbm>> -> memref<1024xf32, #tpu.memory_space<hbm>>
          %dma_wait3A_159 = arith.constant 0 : i32
          %dma_wait3A_160 = tpu.memref_slice %arg5[%add3A_12, %dma_wait3A_159] : memref<150x1024xf32, #tpu.memory_space<hbm>> -> memref<1x1024xf32, #tpu.memory_space<hbm>>
          %dma_wait3A_161 = tpu.memref_squeeze %dma_wait3A_160 : memref<1x1024xf32, #tpu.memory_space<hbm>> -> memref<1024xf32, #tpu.memory_space<hbm>>
          tpu.wait_dma2 semaphore(%run_scoped3A : memref<!tpu.dma_semaphore, #tpu.memory_space<semaphore_mem>>) src(%dma_wait3A_161 : memref<1024xf32, #tpu.memory_space<hbm>>) dst(%arg11 : memref<1024xf32, #tpu.memory_space<vmem>>)
          tpu.yield
        }) : () -> ()
        "tpu.region"() ({
          %run_scoped3A = tpu.sem_alloc : memref<!tpu.dma_semaphore, #tpu.memory_space<semaphore_mem>>
          %dma_start3A = arith.constant 0 : i32
          %dma_start3A_152 = tpu.memref_slice %arg6[%add3A_12, %dma_start3A] : memref<150x1024xf32, #tpu.memory_space<hbm>> -> memref<1x1024xf32, #tpu.memory_space<hbm>>
          %dma_start3A_153 = tpu.memref_squeeze %dma_start3A_152 : memref<1x1024xf32, #tpu.memory_space<hbm>> -> memref<1024xf32, #tpu.memory_space<hbm>>
          %dma_start3A_154 = arith.constant 0 : i32
          %dma_start3A_155 = tpu.memref_slice %arg6[%add3A_12, %dma_start3A_154] : memref<150x1024xf32, #tpu.memory_space<hbm>> -> memref<1x1024xf32, #tpu.memory_space<hbm>>
          %dma_start3A_156 = tpu.memref_squeeze %dma_start3A_155 : memref<1x1024xf32, #tpu.memory_space<hbm>> -> memref<1024xf32, #tpu.memory_space<hbm>>
          tpu.enqueue_dma source(%dma_start3A_156 : memref<1024xf32, #tpu.memory_space<hbm>>) target(%arg12 : memref<1024xf32, #tpu.memory_space<vmem>>) target_semaphore(%run_scoped3A : memref<!tpu.dma_semaphore, #tpu.memory_space<semaphore_mem>>)
          %dma_wait3A = arith.constant 0 : i32
          %dma_wait3A_157 = tpu.memref_slice %arg6[%add3A_12, %dma_wait3A] : memref<150x1024xf32, #tpu.memory_space<hbm>> -> memref<1x1024xf32, #tpu.memory_space<hbm>>
          %dma_wait3A_158 = tpu.memref_squeeze %dma_wait3A_157 : memref<1x1024xf32, #tpu.memory_space<hbm>> -> memref<1024xf32, #tpu.memory_space<hbm>>
          %dma_wait3A_159 = arith.constant 0 : i32
          %dma_wait3A_160 = tpu.memref_slice %arg6[%add3A_12, %dma_wait3A_159] : memref<150x1024xf32, #tpu.memory_space<hbm>> -> memref<1x1024xf32, #tpu.memory_space<hbm>>
          %dma_wait3A_161 = tpu.memref_squeeze %dma_wait3A_160 : memref<1x1024xf32, #tpu.memory_space<hbm>> -> memref<1024xf32, #tpu.memory_space<hbm>>
          tpu.wait_dma2 semaphore(%run_scoped3A : memref<!tpu.dma_semaphore, #tpu.memory_space<semaphore_mem>>) src(%dma_wait3A_161 : memref<1024xf32, #tpu.memory_space<hbm>>) dst(%arg12 : memref<1024xf32, #tpu.memory_space<vmem>>)
          tpu.yield
        }) : () -> ()
        %scan3A_16 = arith.constant 0 : i32
        %scan3A_17 = arith.constant 0 : i32
        %scan3A_18 = arith.constant 64 : i32
        %scan3A_19 = arith.addi %scan3A_17, %scan3A_18 : i32
        %scan3A_20 = arith.constant 1 : i32
        %scan3A_21 = scf.for %scan3A_152 = %scan3A_17 to %scan3A_19 step %scan3A_20 iter_args(%scan3A_153 = %scan3A_16) -> (i32)  : i32 {
          %mul3A_154 = arith.constant 16 : i32
          %mul3A_155 = arith.muli %scan3A_152, %mul3A_154 : i32
          %get3A = arith.index_cast %mul3A_155 : i32 to index
          %get3A_156 = tpu.vector_load %arg11[%get3A] {strides = array<i32>} : memref<1024xf32, #tpu.memory_space<vmem>>, vector<16xf32>,
          %get3A_157 = vector.shape_cast %get3A_156 : vector<16xf32> to vector<16xf32>
          %get3A_158 = arith.index_cast %mul3A_155 : i32 to index
          %get3A_159 = tpu.vector_load %arg9[%get3A_158] {strides = array<i32>} : memref<1024xf32, #tpu.memory_space<vmem>>, vector<16xf32>,
          %get3A_160 = vector.shape_cast %get3A_159 : vector<16xf32> to vector<16xf32>
          %sub3A = arith.subf %get3A_157, %get3A_160 : vector<16xf32>
          %add3A_161 = arith.constant 1.000000e+00 : f32
          %add3A_162 = vector.broadcast %add3A_161 : f32 to vector<16xf32>
          %add3A_163 = arith.addf %sub3A, %add3A_162 : vector<16xf32>
          %get3A_164 = arith.index_cast %mul3A_155 : i32 to index
          %get3A_165 = tpu.vector_load %arg12[%get3A_164] {strides = array<i32>} : memref<1024xf32, #tpu.memory_space<vmem>>, vector<16xf32>,
          %get3A_166 = vector.shape_cast %get3A_165 : vector<16xf32> to vector<16xf32>
          %get3A_167 = arith.index_cast %mul3A_155 : i32 to index
          %get3A_168 = tpu.vector_load %arg10[%get3A_167] {strides = array<i32>} : memref<1024xf32, #tpu.memory_space<vmem>>, vector<16xf32>,
          %get3A_169 = vector.shape_cast %get3A_168 : vector<16xf32> to vector<16xf32>
          %sub3A_170 = arith.subf %get3A_166, %get3A_169 : vector<16xf32>
          %add3A_171 = arith.constant 1.000000e+00 : f32
          %add3A_172 = vector.broadcast %add3A_171 : f32 to vector<16xf32>
          %add3A_173 = arith.addf %sub3A_170, %add3A_172 : vector<16xf32>
          %mul3A_174 = arith.mulf %add3A_163, %add3A_173 : vector<16xf32>
          %swap3A = arith.index_cast %mul3A_155 : i32 to index
          %swap3A_175 = tpu.vector_load %arg13[%swap3A] {strides = array<i32>} : memref<1024xf32, #tpu.memory_space<vmem>>, vector<16xf32>,
          %swap3A_176 = vector.shape_cast %swap3A_175 : vector<16xf32> to vector<16xf32>
          %swap3A_177 = vector.shape_cast %mul3A_174 : vector<16xf32> to vector<16xf32>
          tpu.vector_store %arg13[%swap3A], %swap3A_177 {strides = array<i32>} : memref<1024xf32, #tpu.memory_space<vmem>>, vector<16xf32>,
          %broadcast_in_dim3A_178 = arith.constant 0.000000e+00 : f32
          %broadcast_in_dim3A_179 = vector.broadcast %broadcast_in_dim3A_178 : f32 to vector<16xf32>
          %swap3A_180 = arith.index_cast %mul3A_155 : i32 to index
          %swap3A_181 = tpu.vector_load %arg14[%swap3A_180] {strides = array<i32>} : memref<1024xf32, #tpu.memory_space<vmem>>, vector<16xf32>,
          %swap3A_182 = vector.shape_cast %swap3A_181 : vector<16xf32> to vector<16xf32>
          %swap3A_183 = vector.shape_cast %broadcast_in_dim3A_179 : vector<16xf32> to vector<16xf32>
          tpu.vector_store %arg14[%swap3A_180], %swap3A_183 {strides = array<i32>} : memref<1024xf32, #tpu.memory_space<vmem>>, vector<16xf32>,
          %scan3A_184 = arith.constant 0 : i32
          scf.yield %scan3A_184 : i32
        }
        %scan3A_22 = arith.constant 64 : i32
        %broadcast_in_dim3A = arith.constant -2.000000e+00 : f32
        %broadcast_in_dim3A_23 = vector.broadcast %broadcast_in_dim3A : f32 to vector<16xf32>
        %scan3A_24 = arith.constant 0 : i32
        %scan3A_25 = arith.constant 64 : i32
        %scan3A_26 = arith.addi %scan3A_24, %scan3A_25 : i32
        %scan3A_27 = arith.constant 1 : i32
        %scan3A_28 = scf.for %scan3A_152 = %scan3A_24 to %scan3A_26 step %scan3A_27 iter_args(%scan3A_153 = %broadcast_in_dim3A_23) -> (vector<16xf32>)  : i32 {
          %mul3A_154 = arith.constant 16 : i32
          %mul3A_155 = arith.muli %scan3A_152, %mul3A_154 : i32
          %get3A = arith.index_cast %mul3A_155 : i32 to index
          %get3A_156 = tpu.vector_load %arg8[%get3A] {strides = array<i32>} : memref<1024xf32, #tpu.memory_space<vmem>>, vector<16xf32>,
          %get3A_157 = vector.shape_cast %get3A_156 : vector<16xf32> to vector<16xf32>
          %max3A_158 = arith.maximumf %scan3A_153, %get3A_157 : vector<16xf32>
          scf.yield %max3A_158 : vector<16xf32>
        }
        %scan3A_29 = arith.constant 64 : i32
        %xor3A = arith.constant 8 : i32
        %xor3A_30 = vector.broadcast %xor3A : i32 to vector<16xi32>
        %xor3A_31 = arith.xori %iota3A, %xor3A_30 : vector<16xi32>
        %lt3A_32 = arith.constant 0 : i32
        %lt3A_33 = vector.broadcast %lt3A_32 : i32 to vector<16xi32>
        %lt3A_34 = arith.cmpi slt, %xor3A_31, %lt3A_33 : vector<16xi32>
        %add3A_35 = arith.constant 16 : i32
        %add3A_36 = vector.broadcast %add3A_35 : i32 to vector<16xi32>
        %add3A_37 = arith.addi %xor3A_31, %add3A_36 : vector<16xi32>
        %select_n3A = arith.select %lt3A_34, %add3A_37, %xor3A_31 : vector<16xi1>, vector<16xi32>
        %broadcast_in_dim3A_38 = vector.shape_cast %select_n3A : vector<16xi32> to vector<16x1xi32>
        %gather3A = vector.shape_cast %broadcast_in_dim3A_38 : vector<16x1xi32> to vector<16xi32>
        %gather3A_39 = tpu.dynamic_gather %scan3A_28[%gather3A] in [0] : vector<16xf32>, vector<16xi32> -> vector<16xf32>
        %max3A = arith.maximumf %scan3A_28, %gather3A_39 : vector<16xf32>
        %xor3A_40 = arith.constant 4 : i32
        %xor3A_41 = vector.broadcast %xor3A_40 : i32 to vector<16xi32>
        %xor3A_42 = arith.xori %iota3A, %xor3A_41 : vector<16xi32>
        %lt3A_43 = arith.constant 0 : i32
        %lt3A_44 = vector.broadcast %lt3A_43 : i32 to vector<16xi32>
        %lt3A_45 = arith.cmpi slt, %xor3A_42, %lt3A_44 : vector<16xi32>
        %add3A_46 = arith.constant 16 : i32
        %add3A_47 = vector.broadcast %add3A_46 : i32 to vector<16xi32>
        %add3A_48 = arith.addi %xor3A_42, %add3A_47 : vector<16xi32>
        %select_n3A_49 = arith.select %lt3A_45, %add3A_48, %xor3A_42 : vector<16xi1>, vector<16xi32>
        %broadcast_in_dim3A_50 = vector.shape_cast %select_n3A_49 : vector<16xi32> to vector<16x1xi32>
        %gather3A_51 = vector.shape_cast %broadcast_in_dim3A_50 : vector<16x1xi32> to vector<16xi32>
        %gather3A_52 = tpu.dynamic_gather %max3A[%gather3A_51] in [0] : vector<16xf32>, vector<16xi32> -> vector<16xf32>
        %max3A_53 = arith.maximumf %max3A, %gather3A_52 : vector<16xf32>
        %xor3A_54 = arith.constant 2 : i32
        %xor3A_55 = vector.broadcast %xor3A_54 : i32 to vector<16xi32>
        %xor3A_56 = arith.xori %iota3A, %xor3A_55 : vector<16xi32>
        %lt3A_57 = arith.constant 0 : i32
        %lt3A_58 = vector.broadcast %lt3A_57 : i32 to vector<16xi32>
        %lt3A_59 = arith.cmpi slt, %xor3A_56, %lt3A_58 : vector<16xi32>
        %add3A_60 = arith.constant 16 : i32
        %add3A_61 = vector.broadcast %add3A_60 : i32 to vector<16xi32>
        %add3A_62 = arith.addi %xor3A_56, %add3A_61 : vector<16xi32>
        %select_n3A_63 = arith.select %lt3A_59, %add3A_62, %xor3A_56 : vector<16xi1>, vector<16xi32>
        %broadcast_in_dim3A_64 = vector.shape_cast %select_n3A_63 : vector<16xi32> to vector<16x1xi32>
        %gather3A_65 = vector.shape_cast %broadcast_in_dim3A_64 : vector<16x1xi32> to vector<16xi32>
        %gather3A_66 = tpu.dynamic_gather %max3A_53[%gather3A_65] in [0] : vector<16xf32>, vector<16xi32> -> vector<16xf32>
        %max3A_67 = arith.maximumf %max3A_53, %gather3A_66 : vector<16xf32>
        %xor3A_68 = arith.constant 1 : i32
        %xor3A_69 = vector.broadcast %xor3A_68 : i32 to vector<16xi32>
        %xor3A_70 = arith.xori %iota3A, %xor3A_69 : vector<16xi32>
        %lt3A_71 = arith.constant 0 : i32
        %lt3A_72 = vector.broadcast %lt3A_71 : i32 to vector<16xi32>
        %lt3A_73 = arith.cmpi slt, %xor3A_70, %lt3A_72 : vector<16xi32>
        %add3A_74 = arith.constant 16 : i32
        %add3A_75 = vector.broadcast %add3A_74 : i32 to vector<16xi32>
        %add3A_76 = arith.addi %xor3A_70, %add3A_75 : vector<16xi32>
        %select_n3A_77 = arith.select %lt3A_73, %add3A_76, %xor3A_70 : vector<16xi1>, vector<16xi32>
        %broadcast_in_dim3A_78 = vector.shape_cast %select_n3A_77 : vector<16xi32> to vector<16x1xi32>
        %gather3A_79 = vector.shape_cast %broadcast_in_dim3A_78 : vector<16x1xi32> to vector<16xi32>
        %gather3A_80 = tpu.dynamic_gather %max3A_67[%gather3A_79] in [0] : vector<16xf32>, vector<16xi32> -> vector<16xf32>
        %max3A_81 = arith.maximumf %max3A_67, %gather3A_80 : vector<16xf32>
        %broadcast_in_dim3A_82 = vector.broadcast %scan3A : i32 to vector<16xi32>
        %scan3A_83 = arith.constant 0 : i32
        %scan3A_84 = arith.constant 64 : i32
        %scan3A_85 = arith.addi %scan3A_83, %scan3A_84 : i32
        %scan3A_86 = arith.constant 1 : i32
        %scan3A_87 = scf.for %scan3A_152 = %scan3A_83 to %scan3A_85 step %scan3A_86 iter_args(%scan3A_153 = %broadcast_in_dim3A_82) -> (vector<16xi32>)  : i32 {
          %mul3A_154 = arith.constant 16 : i32
          %mul3A_155 = arith.muli %scan3A_152, %mul3A_154 : i32
          %get3A = arith.index_cast %mul3A_155 : i32 to index
          %get3A_156 = tpu.vector_load %arg8[%get3A] {strides = array<i32>} : memref<1024xf32, #tpu.memory_space<vmem>>, vector<16xf32>,
          %get3A_157 = vector.shape_cast %get3A_156 : vector<16xf32> to vector<16xf32>
          %eq3A = arith.cmpf oeq, %get3A_157, %max3A_81 : vector<16xf32>
          %mul3A_158 = arith.constant 16 : i32
          %mul3A_159 = arith.muli %scan3A_152, %mul3A_158 : i32
          %add3A_160 = vector.broadcast %mul3A_159 : i32 to vector<16xi32>
          %add3A_161 = arith.addi %iota3A, %add3A_160 : vector<16xi32>
          %broadcast_in_dim3A_162 = vector.broadcast %scan3A : i32 to vector<16xi32>
          %select_n3A_163 = arith.select %eq3A, %add3A_161, %broadcast_in_dim3A_162 : vector<16xi1>, vector<16xi32>
          %min3A_164 = arith.minsi %scan3A_153, %select_n3A_163 : vector<16xi32>
          scf.yield %min3A_164 : vector<16xi32>
        }
        %scan3A_88 = arith.constant 64 : i32
        %xor3A_89 = arith.constant 8 : i32
        %xor3A_90 = vector.broadcast %xor3A_89 : i32 to vector<16xi32>
        %xor3A_91 = arith.xori %iota3A, %xor3A_90 : vector<16xi32>
        %lt3A_92 = arith.constant 0 : i32
        %lt3A_93 = vector.broadcast %lt3A_92 : i32 to vector<16xi32>
        %lt3A_94 = arith.cmpi slt, %xor3A_91, %lt3A_93 : vector<16xi32>
        %add3A_95 = arith.constant 16 : i32
        %add3A_96 = vector.broadcast %add3A_95 : i32 to vector<16xi32>
        %add3A_97 = arith.addi %xor3A_91, %add3A_96 : vector<16xi32>
        %select_n3A_98 = arith.select %lt3A_94, %add3A_97, %xor3A_91 : vector<16xi1>, vector<16xi32>
        %broadcast_in_dim3A_99 = vector.shape_cast %select_n3A_98 : vector<16xi32> to vector<16x1xi32>
        %gather3A_100 = vector.shape_cast %broadcast_in_dim3A_99 : vector<16x1xi32> to vector<16xi32>
        %gather3A_101 = tpu.dynamic_gather %scan3A_87[%gather3A_100] in [0] : vector<16xi32>, vector<16xi32> -> vector<16xi32>
        %min3A = arith.minsi %scan3A_87, %gather3A_101 : vector<16xi32>
        %xor3A_102 = arith.constant 4 : i32
        %xor3A_103 = vector.broadcast %xor3A_102 : i32 to vector<16xi32>
        %xor3A_104 = arith.xori %iota3A, %xor3A_103 : vector<16xi32>
        %lt3A_105 = arith.constant 0 : i32
        %lt3A_106 = vector.broadcast %lt3A_105 : i32 to vector<16xi32>
        %lt3A_107 = arith.cmpi slt, %xor3A_104, %lt3A_106 : vector<16xi32>
        %add3A_108 = arith.constant 16 : i32
        %add3A_109 = vector.broadcast %add3A_108 : i32 to vector<16xi32>
        %add3A_110 = arith.addi %xor3A_104, %add3A_109 : vector<16xi32>
        %select_n3A_111 = arith.select %lt3A_107, %add3A_110, %xor3A_104 : vector<16xi1>, vector<16xi32>
        %broadcast_in_dim3A_112 = vector.shape_cast %select_n3A_111 : vector<16xi32> to vector<16x1xi32>
        %gather3A_113 = vector.shape_cast %broadcast_in_dim3A_112 : vector<16x1xi32> to vector<16xi32>
        %gather3A_114 = tpu.dynamic_gather %min3A[%gather3A_113] in [0] : vector<16xi32>, vector<16xi32> -> vector<16xi32>
        %min3A_115 = arith.minsi %min3A, %gather3A_114 : vector<16xi32>
        %xor3A_116 = arith.constant 2 : i32
        %xor3A_117 = vector.broadcast %xor3A_116 : i32 to vector<16xi32>
        %xor3A_118 = arith.xori %iota3A, %xor3A_117 : vector<16xi32>
        %lt3A_119 = arith.constant 0 : i32
        %lt3A_120 = vector.broadcast %lt3A_119 : i32 to vector<16xi32>
        %lt3A_121 = arith.cmpi slt, %xor3A_118, %lt3A_120 : vector<16xi32>
        %add3A_122 = arith.constant 16 : i32
        %add3A_123 = vector.broadcast %add3A_122 : i32 to vector<16xi32>
        %add3A_124 = arith.addi %xor3A_118, %add3A_123 : vector<16xi32>
        %select_n3A_125 = arith.select %lt3A_121, %add3A_124, %xor3A_118 : vector<16xi1>, vector<16xi32>
        %broadcast_in_dim3A_126 = vector.shape_cast %select_n3A_125 : vector<16xi32> to vector<16x1xi32>
        %gather3A_127 = vector.shape_cast %broadcast_in_dim3A_126 : vector<16x1xi32> to vector<16xi32>
        %gather3A_128 = tpu.dynamic_gather %min3A_115[%gather3A_127] in [0] : vector<16xi32>, vector<16xi32> -> vector<16xi32>
        %min3A_129 = arith.minsi %min3A_115, %gather3A_128 : vector<16xi32>
        %xor3A_130 = arith.constant 1 : i32
        %xor3A_131 = vector.broadcast %xor3A_130 : i32 to vector<16xi32>
        %xor3A_132 = arith.xori %iota3A, %xor3A_131 : vector<16xi32>
        %lt3A_133 = arith.constant 0 : i32
        %lt3A_134 = vector.broadcast %lt3A_133 : i32 to vector<16xi32>
        %lt3A_135 = arith.cmpi slt, %xor3A_132, %lt3A_134 : vector<16xi32>
        %add3A_136 = arith.constant 16 : i32
        %add3A_137 = vector.broadcast %add3A_136 : i32 to vector<16xi32>
        %add3A_138 = arith.addi %xor3A_132, %add3A_137 : vector<16xi32>
        %select_n3A_139 = arith.select %lt3A_135, %add3A_138, %xor3A_132 : vector<16xi1>, vector<16xi32>
        %broadcast_in_dim3A_140 = vector.shape_cast %select_n3A_139 : vector<16xi32> to vector<16x1xi32>
        %gather3A_141 = vector.shape_cast %broadcast_in_dim3A_140 : vector<16x1xi32> to vector<16xi32>
        %gather3A_142 = tpu.dynamic_gather %min3A_129[%gather3A_141] in [0] : vector<16xi32>, vector<16xi32> -> vector<16xi32>
        %min3A_143 = arith.minsi %min3A_129, %gather3A_142 : vector<16xi32>
        %slice3A = vector.extract_strided_slice %max3A_81 {offsets = [0], sizes = [1], strides = [1]} : vector<16xf32> to vector<1xf32>
        %squeeze3A = vector.extract %slice3A[0] : f32 from vector<1xf32>
        %slice3A_144 = vector.extract_strided_slice %min3A_143 {offsets = [0], sizes = [1], strides = [1]} : vector<16xi32> to vector<1xi32>
        %squeeze3A_145 = vector.extract %slice3A_144[0] : i32 from vector<1xi32>
        %scan3A_146 = arith.constant 0 : i32
        %scan3A_147 = arith.constant 1024 : i32
        %scan3A_148 = arith.addi %scan3A_146, %scan3A_147 : i32
        %scan3A_149 = arith.constant 1 : i32
        %scan3A_150:2 = scf.for %scan3A_152 = %scan3A_146 to %scan3A_148 step %scan3A_149 iter_args(%scan3A_153 = %squeeze3A, %scan3A_154 = %squeeze3A_145) -> (f32, i32)  : i32 {
          %gt3A = arith.constant -5.000000e-01 : f32
          %gt3A_155 = arith.cmpf ogt, %scan3A_153, %gt3A : f32
          %convert_element_type3A_156 = arith.extui %gt3A_155 : i1 to i32
          %cond3A_157 = arith.constant 0 : i32
          %cond3A_158 = arith.cmpi ne, %convert_element_type3A_156, %cond3A_157 : i32
          %cond3A_159:2 = scf.if %cond3A_158 -> (f32, i32) {
            %jit3A = arith.constant 16 : i32
            %div3A = arith.divsi %scan3A_154, %jit3A : i32
            %sign3A = arith.constant 0 : i32
            %sign3A_160 = arith.cmpi sgt, %scan3A_154, %sign3A : i32
            %sign3A_161 = arith.extui %sign3A_160 : i1 to i32
            %sign3A_162 = arith.constant 0 : i32
            %sign3A_163 = arith.cmpi slt, %scan3A_154, %sign3A_162 : i32
            %sign3A_164 = arith.extui %sign3A_163 : i1 to i32
            %sign3A_165 = arith.subi %sign3A_161, %sign3A_164 : i32
            %sign3A_166 = arith.constant 0 : i32
            %sign3A_167 = arith.cmpi sgt, %jit3A, %sign3A_166 : i32
            %sign3A_168 = arith.extui %sign3A_167 : i1 to i32
            %sign3A_169 = arith.constant 0 : i32
            %sign3A_170 = arith.cmpi slt, %jit3A, %sign3A_169 : i32
            %sign3A_171 = arith.extui %sign3A_170 : i1 to i32
            %sign3A_172 = arith.subi %sign3A_168, %sign3A_171 : i32
            %ne3A = arith.cmpi ne, %sign3A_165, %sign3A_172 : i32
            %rem3A = arith.remsi %scan3A_154, %jit3A : i32
            %ne3A_173 = arith.constant 0 : i32
            %ne3A_174 = arith.cmpi ne, %rem3A, %ne3A_173 : i32
            %and3A = arith.andi %ne3A, %ne3A_174 : i1
            %sub3A = arith.constant 1 : i32
            %sub3A_175 = arith.subi %div3A, %sub3A : i32
            %select_n3A_176 = arith.select %and3A, %sub3A_175, %div3A : i32
            %mul3A_177 = arith.constant 16 : i32
            %mul3A_178 = arith.muli %select_n3A_176, %mul3A_177 : i32
            %sub3A_179 = arith.subi %scan3A_154, %mul3A_178 : i32
            %mul3A_180 = arith.constant 16 : i32
            %mul3A_181 = arith.muli %select_n3A_176, %mul3A_180 : i32
            %broadcast_in_dim3A_182 = arith.constant 0 : i32
            %broadcast_in_dim3A_183 = vector.broadcast %broadcast_in_dim3A_182 : i32 to vector<16xi32>
            %add3A_184 = vector.broadcast %sub3A_179 : i32 to vector<16xi32>
            %add3A_185 = arith.addi %broadcast_in_dim3A_183, %add3A_184 : vector<16xi32>
            %get3A = arith.index_cast %mul3A_181 : i32 to index
            %get3A_186 = tpu.vector_load %arg9[%get3A] {strides = array<i32>} : memref<1024xf32, #tpu.memory_space<vmem>>, vector<16xf32>,
            %get3A_187 = vector.shape_cast %get3A_186 : vector<16xf32> to vector<16xf32>
            %lt3A_188 = arith.constant 0 : i32
            %lt3A_189 = vector.broadcast %lt3A_188 : i32 to vector<16xi32>
            %lt3A_190 = arith.cmpi slt, %add3A_185, %lt3A_189 : vector<16xi32>
            %add3A_191 = arith.constant 16 : i32
            %add3A_192 = vector.broadcast %add3A_191 : i32 to vector<16xi32>
            %add3A_193 = arith.addi %add3A_185, %add3A_192 : vector<16xi32>
            %select_n3A_194 = arith.select %lt3A_190, %add3A_193, %add3A_185 : vector<16xi1>, vector<16xi32>
            %broadcast_in_dim3A_195 = vector.shape_cast %select_n3A_194 : vector<16xi32> to vector<16x1xi32>
            %gather3A_196 = vector.shape_cast %broadcast_in_dim3A_195 : vector<16x1xi32> to vector<16xi32>
            %gather3A_197 = tpu.dynamic_gather %get3A_187[%gather3A_196] in [0] : vector<16xf32>, vector<16xi32> -> vector<16xf32>
            %get3A_198 = arith.index_cast %mul3A_181 : i32 to index
            %get3A_199 = tpu.vector_load %arg10[%get3A_198] {strides = array<i32>} : memref<1024xf32, #tpu.memory_space<vmem>>, vector<16xf32>,
            %get3A_200 = vector.shape_cast %get3A_199 : vector<16xf32> to vector<16xf32>
            %lt3A_201 = arith.constant 0 : i32
            %lt3A_202 = vector.broadcast %lt3A_201 : i32 to vector<16xi32>
            %lt3A_203 = arith.cmpi slt, %add3A_185, %lt3A_202 : vector<16xi32>
            %add3A_204 = arith.constant 16 : i32
            %add3A_205 = vector.broadcast %add3A_204 : i32 to vector<16xi32>
            %add3A_206 = arith.addi %add3A_185, %add3A_205 : vector<16xi32>
            %select_n3A_207 = arith.select %lt3A_203, %add3A_206, %add3A_185 : vector<16xi1>, vector<16xi32>
            %broadcast_in_dim3A_208 = vector.shape_cast %select_n3A_207 : vector<16xi32> to vector<16x1xi32>
            %gather3A_209 = vector.shape_cast %broadcast_in_dim3A_208 : vector<16x1xi32> to vector<16xi32>
            %gather3A_210 = tpu.dynamic_gather %get3A_200[%gather3A_209] in [0] : vector<16xf32>, vector<16xi32> -> vector<16xf32>
            %get3A_211 = arith.index_cast %mul3A_181 : i32 to index
            %get3A_212 = tpu.vector_load %arg11[%get3A_211] {strides = array<i32>} : memref<1024xf32, #tpu.memory_space<vmem>>, vector<16xf32>,
            %get3A_213 = vector.shape_cast %get3A_212 : vector<16xf32> to vector<16xf32>
            %lt3A_214 = arith.constant 0 : i32
            %lt3A_215 = vector.broadcast %lt3A_214 : i32 to vector<16xi32>
            %lt3A_216 = arith.cmpi slt, %add3A_185, %lt3A_215 : vector<16xi32>
            %add3A_217 = arith.constant 16 : i32
            %add3A_218 = vector.broadcast %add3A_217 : i32 to vector<16xi32>
            %add3A_219 = arith.addi %add3A_185, %add3A_218 : vector<16xi32>
            %select_n3A_220 = arith.select %lt3A_216, %add3A_219, %add3A_185 : vector<16xi1>, vector<16xi32>
            %broadcast_in_dim3A_221 = vector.shape_cast %select_n3A_220 : vector<16xi32> to vector<16x1xi32>
            %gather3A_222 = vector.shape_cast %broadcast_in_dim3A_221 : vector<16x1xi32> to vector<16xi32>
            %gather3A_223 = tpu.dynamic_gather %get3A_213[%gather3A_222] in [0] : vector<16xf32>, vector<16xi32> -> vector<16xf32>
            %get3A_224 = arith.index_cast %mul3A_181 : i32 to index
            %get3A_225 = tpu.vector_load %arg12[%get3A_224] {strides = array<i32>} : memref<1024xf32, #tpu.memory_space<vmem>>, vector<16xf32>,
            %get3A_226 = vector.shape_cast %get3A_225 : vector<16xf32> to vector<16xf32>
            %lt3A_227 = arith.constant 0 : i32
            %lt3A_228 = vector.broadcast %lt3A_227 : i32 to vector<16xi32>
            %lt3A_229 = arith.cmpi slt, %add3A_185, %lt3A_228 : vector<16xi32>
            %add3A_230 = arith.constant 16 : i32
            %add3A_231 = vector.broadcast %add3A_230 : i32 to vector<16xi32>
            %add3A_232 = arith.addi %add3A_185, %add3A_231 : vector<16xi32>
            %select_n3A_233 = arith.select %lt3A_229, %add3A_232, %add3A_185 : vector<16xi1>, vector<16xi32>
            %broadcast_in_dim3A_234 = vector.shape_cast %select_n3A_233 : vector<16xi32> to vector<16x1xi32>
            %gather3A_235 = vector.shape_cast %broadcast_in_dim3A_234 : vector<16x1xi32> to vector<16xi32>
            %gather3A_236 = tpu.dynamic_gather %get3A_226[%gather3A_235] in [0] : vector<16xf32>, vector<16xi32> -> vector<16xf32>
            %get3A_237 = arith.index_cast %mul3A_181 : i32 to index
            %get3A_238 = tpu.vector_load %arg13[%get3A_237] {strides = array<i32>} : memref<1024xf32, #tpu.memory_space<vmem>>, vector<16xf32>,
            %get3A_239 = vector.shape_cast %get3A_238 : vector<16xf32> to vector<16xf32>
            %lt3A_240 = arith.constant 0 : i32
            %lt3A_241 = vector.broadcast %lt3A_240 : i32 to vector<16xi32>
            %lt3A_242 = arith.cmpi slt, %add3A_185, %lt3A_241 : vector<16xi32>
            %add3A_243 = arith.constant 16 : i32
            %add3A_244 = vector.broadcast %add3A_243 : i32 to vector<16xi32>
            %add3A_245 = arith.addi %add3A_185, %add3A_244 : vector<16xi32>
            %select_n3A_246 = arith.select %lt3A_242, %add3A_245, %add3A_185 : vector<16xi1>, vector<16xi32>
            %broadcast_in_dim3A_247 = vector.shape_cast %select_n3A_246 : vector<16xi32> to vector<16x1xi32>
            %gather3A_248 = vector.shape_cast %broadcast_in_dim3A_247 : vector<16x1xi32> to vector<16xi32>
            %gather3A_249 = tpu.dynamic_gather %get3A_239[%gather3A_248] in [0] : vector<16xf32>, vector<16xi32> -> vector<16xf32>
            %get3A_250 = arith.index_cast %mul3A_181 : i32 to index
            %get3A_251 = tpu.vector_load %arg14[%get3A_250] {strides = array<i32>} : memref<1024xf32, #tpu.memory_space<vmem>>, vector<16xf32>,
            %get3A_252 = vector.shape_cast %get3A_251 : vector<16xf32> to vector<16xf32>
            %eq3A = vector.broadcast %sub3A_179 : i32 to vector<16xi32>
            %eq3A_253 = arith.cmpi eq, %iota3A, %eq3A : vector<16xi32>
            %jit3A_254 = arith.constant 1.000000e+00 : f32
            %broadcast_in_dim3A_255 = vector.broadcast %jit3A_254 : f32 to vector<16xf32>
            %select_n3A_256 = arith.select %eq3A_253, %broadcast_in_dim3A_255, %get3A_252 : vector<16xi1>, vector<16xf32>
            %swap3A = arith.index_cast %mul3A_181 : i32 to index
            %swap3A_257 = tpu.vector_load %arg14[%swap3A] {strides = array<i32>} : memref<1024xf32, #tpu.memory_space<vmem>>, vector<16xf32>,
            %swap3A_258 = vector.shape_cast %swap3A_257 : vector<16xf32> to vector<16xf32>
            %swap3A_259 = vector.shape_cast %select_n3A_256 : vector<16xf32> to vector<16xf32>
            tpu.vector_store %arg14[%swap3A], %swap3A_259 {strides = array<i32>} : memref<1024xf32, #tpu.memory_space<vmem>>, vector<16xf32>,
            %broadcast_in_dim3A_260 = arith.constant -2.000000e+00 : f32
            %broadcast_in_dim3A_261 = vector.broadcast %broadcast_in_dim3A_260 : f32 to vector<16xf32>
            %scan3A_262 = arith.constant 0 : i32
            %scan3A_263 = arith.constant 64 : i32
            %scan3A_264 = arith.addi %scan3A_262, %scan3A_263 : i32
            %scan3A_265 = arith.constant 1 : i32
            %scan3A_266 = scf.for %scan3A_391 = %scan3A_262 to %scan3A_264 step %scan3A_265 iter_args(%scan3A_392 = %broadcast_in_dim3A_261) -> (vector<16xf32>)  : i32 {
              %mul3A_393 = arith.constant 16 : i32
              %mul3A_394 = arith.muli %scan3A_391, %mul3A_393 : i32
              %get3A_395 = arith.index_cast %mul3A_394 : i32 to index
              %get3A_396 = tpu.vector_load %arg9[%get3A_395] {strides = array<i32>} : memref<1024xf32, #tpu.memory_space<vmem>>, vector<16xf32>,
              %get3A_397 = vector.shape_cast %get3A_396 : vector<16xf32> to vector<16xf32>
              %max3A_398 = arith.maximumf %gather3A_197, %get3A_397 : vector<16xf32>
              %get3A_399 = arith.index_cast %mul3A_394 : i32 to index
              %get3A_400 = tpu.vector_load %arg10[%get3A_399] {strides = array<i32>} : memref<1024xf32, #tpu.memory_space<vmem>>, vector<16xf32>,
              %get3A_401 = vector.shape_cast %get3A_400 : vector<16xf32> to vector<16xf32>
              %max3A_402 = arith.maximumf %gather3A_210, %get3A_401 : vector<16xf32>
              %get3A_403 = arith.index_cast %mul3A_394 : i32 to index
              %get3A_404 = tpu.vector_load %arg11[%get3A_403] {strides = array<i32>} : memref<1024xf32, #tpu.memory_space<vmem>>, vector<16xf32>,
              %get3A_405 = vector.shape_cast %get3A_404 : vector<16xf32> to vector<16xf32>
              %min3A_406 = arith.minimumf %gather3A_223, %get3A_405 : vector<16xf32>
              %get3A_407 = arith.index_cast %mul3A_394 : i32 to index
              %get3A_408 = tpu.vector_load %arg12[%get3A_407] {strides = array<i32>} : memref<1024xf32, #tpu.memory_space<vmem>>, vector<16xf32>,
              %get3A_409 = vector.shape_cast %get3A_408 : vector<16xf32> to vector<16xf32>
              %min3A_410 = arith.minimumf %gather3A_236, %get3A_409 : vector<16xf32>
              %sub3A_411 = arith.subf %min3A_406, %max3A_398 : vector<16xf32>
              %add3A_412 = arith.constant 1.000000e+00 : f32
              %add3A_413 = vector.broadcast %add3A_412 : f32 to vector<16xf32>
              %add3A_414 = arith.addf %sub3A_411, %add3A_413 : vector<16xf32>
              %max3A_415 = arith.constant 0.000000e+00 : f32
              %max3A_416 = vector.broadcast %max3A_415 : f32 to vector<16xf32>
              %max3A_417 = arith.maximumf %add3A_414, %max3A_416 : vector<16xf32>
              %sub3A_418 = arith.subf %min3A_410, %max3A_402 : vector<16xf32>
              %add3A_419 = arith.constant 1.000000e+00 : f32
              %add3A_420 = vector.broadcast %add3A_419 : f32 to vector<16xf32>
              %add3A_421 = arith.addf %sub3A_418, %add3A_420 : vector<16xf32>
              %max3A_422 = arith.constant 0.000000e+00 : f32
              %max3A_423 = vector.broadcast %max3A_422 : f32 to vector<16xf32>
              %max3A_424 = arith.maximumf %add3A_421, %max3A_423 : vector<16xf32>
              %mul3A_425 = arith.mulf %max3A_417, %max3A_424 : vector<16xf32>
              %get3A_426 = arith.index_cast %mul3A_394 : i32 to index
              %get3A_427 = tpu.vector_load %arg13[%get3A_426] {strides = array<i32>} : memref<1024xf32, #tpu.memory_space<vmem>>, vector<16xf32>,
              %get3A_428 = vector.shape_cast %get3A_427 : vector<16xf32> to vector<16xf32>
              %add3A_429 = arith.addf %gather3A_249, %get3A_428 : vector<16xf32>
              %sub3A_430 = arith.subf %add3A_429, %mul3A_425 : vector<16xf32>
              %div3A_431 = arith.divf %mul3A_425, %sub3A_430 : vector<16xf32>
              %get3A_432 = arith.index_cast %mul3A_394 : i32 to index
              %get3A_433 = tpu.vector_load %arg8[%get3A_432] {strides = array<i32>} : memref<1024xf32, #tpu.memory_space<vmem>>, vector<16xf32>,
              %get3A_434 = vector.shape_cast %get3A_433 : vector<16xf32> to vector<16xf32>
              %gt3A_435 = arith.constant 3.000000e-01 : f32
              %gt3A_436 = vector.broadcast %gt3A_435 : f32 to vector<16xf32>
              %gt3A_437 = arith.cmpf ogt, %div3A_431, %gt3A_436 : vector<16xf32>
              %jit3A_438 = arith.constant -1.000000e+00 : f32
              %broadcast_in_dim3A_439 = vector.broadcast %jit3A_438 : f32 to vector<16xf32>
              %select_n3A_440 = arith.select %gt3A_437, %broadcast_in_dim3A_439, %get3A_434 : vector<16xi1>, vector<16xf32>
              %swap3A_441 = arith.index_cast %mul3A_394 : i32 to index
              %swap3A_442 = tpu.vector_load %arg8[%swap3A_441] {strides = array<i32>} : memref<1024xf32, #tpu.memory_space<vmem>>, vector<16xf32>,
              %swap3A_443 = vector.shape_cast %swap3A_442 : vector<16xf32> to vector<16xf32>
              %swap3A_444 = vector.shape_cast %select_n3A_440 : vector<16xf32> to vector<16xf32>
              tpu.vector_store %arg8[%swap3A_441], %swap3A_444 {strides = array<i32>} : memref<1024xf32, #tpu.memory_space<vmem>>, vector<16xf32>,
              %max3A_445 = arith.maximumf %scan3A_392, %select_n3A_440 : vector<16xf32>
              scf.yield %max3A_445 : vector<16xf32>
            }
            %scan3A_267 = arith.constant 64 : i32
            %xor3A_268 = arith.constant 8 : i32
            %xor3A_269 = vector.broadcast %xor3A_268 : i32 to vector<16xi32>
            %xor3A_270 = arith.xori %iota3A, %xor3A_269 : vector<16xi32>
            %lt3A_271 = arith.constant 0 : i32
            %lt3A_272 = vector.broadcast %lt3A_271 : i32 to vector<16xi32>
            %lt3A_273 = arith.cmpi slt, %xor3A_270, %lt3A_272 : vector<16xi32>
            %add3A_274 = arith.constant 16 : i32
            %add3A_275 = vector.broadcast %add3A_274 : i32 to vector<16xi32>
            %add3A_276 = arith.addi %xor3A_270, %add3A_275 : vector<16xi32>
            %select_n3A_277 = arith.select %lt3A_273, %add3A_276, %xor3A_270 : vector<16xi1>, vector<16xi32>
            %broadcast_in_dim3A_278 = vector.shape_cast %select_n3A_277 : vector<16xi32> to vector<16x1xi32>
            %gather3A_279 = vector.shape_cast %broadcast_in_dim3A_278 : vector<16x1xi32> to vector<16xi32>
            %gather3A_280 = tpu.dynamic_gather %scan3A_266[%gather3A_279] in [0] : vector<16xf32>, vector<16xi32> -> vector<16xf32>
            %max3A_281 = arith.maximumf %scan3A_266, %gather3A_280 : vector<16xf32>
            %xor3A_282 = arith.constant 4 : i32
            %xor3A_283 = vector.broadcast %xor3A_282 : i32 to vector<16xi32>
            %xor3A_284 = arith.xori %iota3A, %xor3A_283 : vector<16xi32>
            %lt3A_285 = arith.constant 0 : i32
            %lt3A_286 = vector.broadcast %lt3A_285 : i32 to vector<16xi32>
            %lt3A_287 = arith.cmpi slt, %xor3A_284, %lt3A_286 : vector<16xi32>
            %add3A_288 = arith.constant 16 : i32
            %add3A_289 = vector.broadcast %add3A_288 : i32 to vector<16xi32>
            %add3A_290 = arith.addi %xor3A_284, %add3A_289 : vector<16xi32>
            %select_n3A_291 = arith.select %lt3A_287, %add3A_290, %xor3A_284 : vector<16xi1>, vector<16xi32>
            %broadcast_in_dim3A_292 = vector.shape_cast %select_n3A_291 : vector<16xi32> to vector<16x1xi32>
            %gather3A_293 = vector.shape_cast %broadcast_in_dim3A_292 : vector<16x1xi32> to vector<16xi32>
            %gather3A_294 = tpu.dynamic_gather %max3A_281[%gather3A_293] in [0] : vector<16xf32>, vector<16xi32> -> vector<16xf32>
            %max3A_295 = arith.maximumf %max3A_281, %gather3A_294 : vector<16xf32>
            %xor3A_296 = arith.constant 2 : i32
            %xor3A_297 = vector.broadcast %xor3A_296 : i32 to vector<16xi32>
            %xor3A_298 = arith.xori %iota3A, %xor3A_297 : vector<16xi32>
            %lt3A_299 = arith.constant 0 : i32
            %lt3A_300 = vector.broadcast %lt3A_299 : i32 to vector<16xi32>
            %lt3A_301 = arith.cmpi slt, %xor3A_298, %lt3A_300 : vector<16xi32>
            %add3A_302 = arith.constant 16 : i32
            %add3A_303 = vector.broadcast %add3A_302 : i32 to vector<16xi32>
            %add3A_304 = arith.addi %xor3A_298, %add3A_303 : vector<16xi32>
            %select_n3A_305 = arith.select %lt3A_301, %add3A_304, %xor3A_298 : vector<16xi1>, vector<16xi32>
            %broadcast_in_dim3A_306 = vector.shape_cast %select_n3A_305 : vector<16xi32> to vector<16x1xi32>
            %gather3A_307 = vector.shape_cast %broadcast_in_dim3A_306 : vector<16x1xi32> to vector<16xi32>
            %gather3A_308 = tpu.dynamic_gather %max3A_295[%gather3A_307] in [0] : vector<16xf32>, vector<16xi32> -> vector<16xf32>
            %max3A_309 = arith.maximumf %max3A_295, %gather3A_308 : vector<16xf32>
            %xor3A_310 = arith.constant 1 : i32
            %xor3A_311 = vector.broadcast %xor3A_310 : i32 to vector<16xi32>
            %xor3A_312 = arith.xori %iota3A, %xor3A_311 : vector<16xi32>
            %lt3A_313 = arith.constant 0 : i32
            %lt3A_314 = vector.broadcast %lt3A_313 : i32 to vector<16xi32>
            %lt3A_315 = arith.cmpi slt, %xor3A_312, %lt3A_314 : vector<16xi32>
            %add3A_316 = arith.constant 16 : i32
            %add3A_317 = vector.broadcast %add3A_316 : i32 to vector<16xi32>
            %add3A_318 = arith.addi %xor3A_312, %add3A_317 : vector<16xi32>
            %select_n3A_319 = arith.select %lt3A_315, %add3A_318, %xor3A_312 : vector<16xi1>, vector<16xi32>
            %broadcast_in_dim3A_320 = vector.shape_cast %select_n3A_319 : vector<16xi32> to vector<16x1xi32>
            %gather3A_321 = vector.shape_cast %broadcast_in_dim3A_320 : vector<16x1xi32> to vector<16xi32>
            %gather3A_322 = tpu.dynamic_gather %max3A_309[%gather3A_321] in [0] : vector<16xf32>, vector<16xi32> -> vector<16xf32>
            %max3A_323 = arith.maximumf %max3A_309, %gather3A_322 : vector<16xf32>
            %broadcast_in_dim3A_324 = vector.broadcast %scan3A : i32 to vector<16xi32>
            %scan3A_325 = arith.constant 0 : i32
            %scan3A_326 = arith.constant 64 : i32
            %scan3A_327 = arith.addi %scan3A_325, %scan3A_326 : i32
            %scan3A_328 = arith.constant 1 : i32
            %scan3A_329 = scf.for %scan3A_391 = %scan3A_325 to %scan3A_327 step %scan3A_328 iter_args(%scan3A_392 = %broadcast_in_dim3A_324) -> (vector<16xi32>)  : i32 {
              %mul3A_393 = arith.constant 16 : i32
              %mul3A_394 = arith.muli %scan3A_391, %mul3A_393 : i32
              %get3A_395 = arith.index_cast %mul3A_394 : i32 to index
              %get3A_396 = tpu.vector_load %arg8[%get3A_395] {strides = array<i32>} : memref<1024xf32, #tpu.memory_space<vmem>>, vector<16xf32>,
              %get3A_397 = vector.shape_cast %get3A_396 : vector<16xf32> to vector<16xf32>
              %eq3A_398 = arith.cmpf oeq, %get3A_397, %max3A_323 : vector<16xf32>
              %mul3A_399 = arith.constant 16 : i32
              %mul3A_400 = arith.muli %scan3A_391, %mul3A_399 : i32
              %add3A_401 = vector.broadcast %mul3A_400 : i32 to vector<16xi32>
              %add3A_402 = arith.addi %iota3A, %add3A_401 : vector<16xi32>
              %broadcast_in_dim3A_403 = vector.broadcast %scan3A : i32 to vector<16xi32>
              %select_n3A_404 = arith.select %eq3A_398, %add3A_402, %broadcast_in_dim3A_403 : vector<16xi1>, vector<16xi32>
              %min3A_405 = arith.minsi %scan3A_392, %select_n3A_404 : vector<16xi32>
              scf.yield %min3A_405 : vector<16xi32>
            }
            %scan3A_330 = arith.constant 64 : i32
            %xor3A_331 = arith.constant 8 : i32
            %xor3A_332 = vector.broadcast %xor3A_331 : i32 to vector<16xi32>
            %xor3A_333 = arith.xori %iota3A, %xor3A_332 : vector<16xi32>
            %lt3A_334 = arith.constant 0 : i32
            %lt3A_335 = vector.broadcast %lt3A_334 : i32 to vector<16xi32>
            %lt3A_336 = arith.cmpi slt, %xor3A_333, %lt3A_335 : vector<16xi32>
            %add3A_337 = arith.constant 16 : i32
            %add3A_338 = vector.broadcast %add3A_337 : i32 to vector<16xi32>
            %add3A_339 = arith.addi %xor3A_333, %add3A_338 : vector<16xi32>
            %select_n3A_340 = arith.select %lt3A_336, %add3A_339, %xor3A_333 : vector<16xi1>, vector<16xi32>
            %broadcast_in_dim3A_341 = vector.shape_cast %select_n3A_340 : vector<16xi32> to vector<16x1xi32>
            %gather3A_342 = vector.shape_cast %broadcast_in_dim3A_341 : vector<16x1xi32> to vector<16xi32>
            %gather3A_343 = tpu.dynamic_gather %scan3A_329[%gather3A_342] in [0] : vector<16xi32>, vector<16xi32> -> vector<16xi32>
            %min3A_344 = arith.minsi %scan3A_329, %gather3A_343 : vector<16xi32>
            %xor3A_345 = arith.constant 4 : i32
            %xor3A_346 = vector.broadcast %xor3A_345 : i32 to vector<16xi32>
            %xor3A_347 = arith.xori %iota3A, %xor3A_346 : vector<16xi32>
            %lt3A_348 = arith.constant 0 : i32
            %lt3A_349 = vector.broadcast %lt3A_348 : i32 to vector<16xi32>
            %lt3A_350 = arith.cmpi slt, %xor3A_347, %lt3A_349 : vector<16xi32>
            %add3A_351 = arith.constant 16 : i32
            %add3A_352 = vector.broadcast %add3A_351 : i32 to vector<16xi32>
            %add3A_353 = arith.addi %xor3A_347, %add3A_352 : vector<16xi32>
            %select_n3A_354 = arith.select %lt3A_350, %add3A_353, %xor3A_347 : vector<16xi1>, vector<16xi32>
            %broadcast_in_dim3A_355 = vector.shape_cast %select_n3A_354 : vector<16xi32> to vector<16x1xi32>
            %gather3A_356 = vector.shape_cast %broadcast_in_dim3A_355 : vector<16x1xi32> to vector<16xi32>
            %gather3A_357 = tpu.dynamic_gather %min3A_344[%gather3A_356] in [0] : vector<16xi32>, vector<16xi32> -> vector<16xi32>
            %min3A_358 = arith.minsi %min3A_344, %gather3A_357 : vector<16xi32>
            %xor3A_359 = arith.constant 2 : i32
            %xor3A_360 = vector.broadcast %xor3A_359 : i32 to vector<16xi32>
            %xor3A_361 = arith.xori %iota3A, %xor3A_360 : vector<16xi32>
            %lt3A_362 = arith.constant 0 : i32
            %lt3A_363 = vector.broadcast %lt3A_362 : i32 to vector<16xi32>
            %lt3A_364 = arith.cmpi slt, %xor3A_361, %lt3A_363 : vector<16xi32>
            %add3A_365 = arith.constant 16 : i32
            %add3A_366 = vector.broadcast %add3A_365 : i32 to vector<16xi32>
            %add3A_367 = arith.addi %xor3A_361, %add3A_366 : vector<16xi32>
            %select_n3A_368 = arith.select %lt3A_364, %add3A_367, %xor3A_361 : vector<16xi1>, vector<16xi32>
            %broadcast_in_dim3A_369 = vector.shape_cast %select_n3A_368 : vector<16xi32> to vector<16x1xi32>
            %gather3A_370 = vector.shape_cast %broadcast_in_dim3A_369 : vector<16x1xi32> to vector<16xi32>
            %gather3A_371 = tpu.dynamic_gather %min3A_358[%gather3A_370] in [0] : vector<16xi32>, vector<16xi32> -> vector<16xi32>
            %min3A_372 = arith.minsi %min3A_358, %gather3A_371 : vector<16xi32>
            %xor3A_373 = arith.constant 1 : i32
            %xor3A_374 = vector.broadcast %xor3A_373 : i32 to vector<16xi32>
            %xor3A_375 = arith.xori %iota3A, %xor3A_374 : vector<16xi32>
            %lt3A_376 = arith.constant 0 : i32
            %lt3A_377 = vector.broadcast %lt3A_376 : i32 to vector<16xi32>
            %lt3A_378 = arith.cmpi slt, %xor3A_375, %lt3A_377 : vector<16xi32>
            %add3A_379 = arith.constant 16 : i32
            %add3A_380 = vector.broadcast %add3A_379 : i32 to vector<16xi32>
            %add3A_381 = arith.addi %xor3A_375, %add3A_380 : vector<16xi32>
            %select_n3A_382 = arith.select %lt3A_378, %add3A_381, %xor3A_375 : vector<16xi1>, vector<16xi32>
            %broadcast_in_dim3A_383 = vector.shape_cast %select_n3A_382 : vector<16xi32> to vector<16x1xi32>
            %gather3A_384 = vector.shape_cast %broadcast_in_dim3A_383 : vector<16x1xi32> to vector<16xi32>
            %gather3A_385 = tpu.dynamic_gather %min3A_372[%gather3A_384] in [0] : vector<16xi32>, vector<16xi32> -> vector<16xi32>
            %min3A_386 = arith.minsi %min3A_372, %gather3A_385 : vector<16xi32>
            %slice3A_387 = vector.extract_strided_slice %max3A_323 {offsets = [0], sizes = [1], strides = [1]} : vector<16xf32> to vector<1xf32>
            %squeeze3A_388 = vector.extract %slice3A_387[0] : f32 from vector<1xf32>
            %slice3A_389 = vector.extract_strided_slice %min3A_386 {offsets = [0], sizes = [1], strides = [1]} : vector<16xi32> to vector<1xi32>
            %squeeze3A_390 = vector.extract %slice3A_389[0] : i32 from vector<1xi32>
            scf.yield %squeeze3A_388, %squeeze3A_390 : f32, i32
          } else {
            scf.yield %scan3A_153, %scan3A_154 : f32, i32
          }
          scf.yield %cond3A_159#0, %cond3A_159#1 : f32, i32
        }
        %scan3A_151 = arith.constant 1024 : i32
        "tpu.region"() ({
          %run_scoped3A = tpu.sem_alloc : memref<!tpu.dma_semaphore, #tpu.memory_space<semaphore_mem>>
          %dma_start3A = arith.constant 0 : i32
          %dma_start3A_152 = tpu.memref_slice %arg7[%add3A_12, %dma_start3A] : memref<150x1024xf32, #tpu.memory_space<hbm>> -> memref<1x1024xf32, #tpu.memory_space<hbm>>
          %dma_start3A_153 = tpu.memref_squeeze %dma_start3A_152 : memref<1x1024xf32, #tpu.memory_space<hbm>> -> memref<1024xf32, #tpu.memory_space<hbm>>
          %dma_start3A_154 = arith.constant 0 : i32
          %dma_start3A_155 = tpu.memref_slice %arg7[%add3A_12, %dma_start3A_154] : memref<150x1024xf32, #tpu.memory_space<hbm>> -> memref<1x1024xf32, #tpu.memory_space<hbm>>
          %dma_start3A_156 = tpu.memref_squeeze %dma_start3A_155 : memref<1x1024xf32, #tpu.memory_space<hbm>> -> memref<1024xf32, #tpu.memory_space<hbm>>
          tpu.enqueue_dma source(%arg14 : memref<1024xf32, #tpu.memory_space<vmem>>) target(%dma_start3A_156 : memref<1024xf32, #tpu.memory_space<hbm>>) target_semaphore(%run_scoped3A : memref<!tpu.dma_semaphore, #tpu.memory_space<semaphore_mem>>)
          %dma_wait3A = arith.constant 0 : i32
          %dma_wait3A_157 = tpu.memref_slice %arg7[%add3A_12, %dma_wait3A] : memref<150x1024xf32, #tpu.memory_space<hbm>> -> memref<1x1024xf32, #tpu.memory_space<hbm>>
          %dma_wait3A_158 = tpu.memref_squeeze %dma_wait3A_157 : memref<1x1024xf32, #tpu.memory_space<hbm>> -> memref<1024xf32, #tpu.memory_space<hbm>>
          %dma_wait3A_159 = arith.constant 0 : i32
          %dma_wait3A_160 = tpu.memref_slice %arg7[%add3A_12, %dma_wait3A_159] : memref<150x1024xf32, #tpu.memory_space<hbm>> -> memref<1x1024xf32, #tpu.memory_space<hbm>>
          %dma_wait3A_161 = tpu.memref_squeeze %dma_wait3A_160 : memref<1x1024xf32, #tpu.memory_space<hbm>> -> memref<1024xf32, #tpu.memory_space<hbm>>
          tpu.wait_dma2 semaphore(%run_scoped3A : memref<!tpu.dma_semaphore, #tpu.memory_space<semaphore_mem>>) src(%arg14 : memref<1024xf32, #tpu.memory_space<vmem>>) dst(%dma_wait3A_161 : memref<1024xf32, #tpu.memory_space<hbm>>)
          tpu.yield
        }) : () -> ()
      } else {
      }
      %scan3A_15 = arith.constant 0 : i32
      scf.yield %scan3A_15 : i32
    }
    %scan3A_7 = arith.constant 5 : i32
    return
  }
}

module attributes {stable_mosaic.version = 14 : i64} {
  func.func @_dense_body(%arg0: memref<1000x4096xf32, #tpu.memory_space<vmem>>, %arg1: memref<1000x151xf32, #tpu.memory_space<vmem>>, %arg2: memref<1000x4xf32, #tpu.memory_space<vmem>>, %arg3: memref<151x20xf32, #tpu.memory_space<vmem>>, %arg4: memref<4x128xf32, #tpu.memory_space<vmem>>, %arg5: memref<1x128xf32, #tpu.memory_space<vmem>>, %arg6: memref<1x4xf32, #tpu.memory_space<vmem>>, %arg7: memref<1x4xf32, #tpu.memory_space<vmem>>, %arg8: memref<1x4xf32, #tpu.memory_space<vmem>>, %arg9: memref<1x4xf32, #tpu.memory_space<vmem>>, %arg10: memref<4096x151xf32, #tpu.memory_space<vmem>>, %arg11: memref<20x151xf32, #tpu.memory_space<vmem>>, %arg12: memref<128x151xf32, #tpu.memory_space<vmem>>, %arg13: memref<1x151xf32, #tpu.memory_space<vmem>>, %arg14: memref<1000x151xf32, #tpu.memory_space<vmem>>, %arg15: memref<1000x151xf32, #tpu.memory_space<vmem>>) attributes {dimension_semantics = [], scalar_prefetch = 0 : i64, scratch_operands = 0 : i64, tpu.core_type = #tpu.core_type<tc>} {
    %get3A = arith.constant 0 : index
    %get3A_0 = arith.constant 0 : index
    %get3A_1 = vector.load %arg1[%get3A, %get3A_0] : memref<1000x151xf32, #tpu.memory_space<vmem>>, vector<1000x151xf32>
    %reduce_max3A = arith.constant dense<0xFF800000> : vector<1000xf32>
    %reduce_max3A_2 = vector.multi_reduction <maximumf>, %get3A_1, %reduce_max3A [1] : vector<1000x151xf32> to vector<1000xf32>
    %broadcast_in_dim3A = vector.shape_cast %reduce_max3A_2 : vector<1000xf32> to vector<1000x1xf32>
    %sub3A = vector.broadcast %broadcast_in_dim3A : vector<1000x1xf32> to vector<1000x151xf32>
    %sub3A_3 = arith.subf %get3A_1, %sub3A : vector<1000x151xf32>
    %exp3A = math.exp %sub3A_3 : vector<1000x151xf32>
    %reduce_sum3A = arith.constant dense<0.000000e+00> : vector<1000xf32>
    %reduce_sum3A_4 = vector.multi_reduction <add>, %exp3A, %reduce_sum3A [1] : vector<1000x151xf32> to vector<1000xf32>
    %broadcast_in_dim3A_5 = vector.shape_cast %reduce_sum3A_4 : vector<1000xf32> to vector<1000x1xf32>
    %div3A = vector.broadcast %broadcast_in_dim3A_5 : vector<1000x1xf32> to vector<1000x151xf32>
    %div3A_6 = arith.divf %exp3A, %div3A : vector<1000x151xf32>
    %get3A_7 = arith.constant 0 : index
    %get3A_8 = arith.constant 0 : index
    %get3A_9 = vector.load %arg3[%get3A_7, %get3A_8] : memref<151x20xf32, #tpu.memory_space<vmem>>, vector<151x20xf32>
    %convert_element_type3A = arith.truncf %div3A_6 : vector<1000x151xf32> to vector<1000x151xbf16>
    %convert_element_type3A_10 = arith.truncf %get3A_9 : vector<151x20xf32> to vector<151x20xbf16>
    %dot_general3A = arith.constant dense<0.000000e+00> : vector<1000x20xf32>
    %dot_general3A_11 = tpu.matmul %convert_element_type3A, %convert_element_type3A_10, %dot_general3A {dimension_numbers = #tpu.dot_dimension_numbers<[1], [0], [0], [1], [0, 0, 1, 1], [], []>, transpose_lhs_hint = false} : vector<1000x151xbf16>, vector<151x20xbf16>, vector<1000x20xf32> -> vector<1000x20xf32>
    %get3A_12 = arith.constant 0 : index
    %get3A_13 = arith.constant 0 : index
    %get3A_14 = vector.load %arg2[%get3A_12, %get3A_13] : memref<1000x4xf32, #tpu.memory_space<vmem>>, vector<1000x4xf32>
    %slice3A = vector.extract_strided_slice %get3A_14 {offsets = [0, 2], sizes = [1000, 2], strides = [1, 1]} : vector<1000x4xf32> to vector<1000x2xf32>
    %slice3A_15 = vector.extract_strided_slice %get3A_14 {offsets = [0, 0], sizes = [1000, 2], strides = [1, 1]} : vector<1000x4xf32> to vector<1000x2xf32>
    %sub3A_16 = arith.subf %slice3A, %slice3A_15 : vector<1000x2xf32>
    %add3A = arith.constant 1.000000e+00 : f32
    %add3A_17 = vector.broadcast %add3A : f32 to vector<1000x2xf32>
    %add3A_18 = arith.addf %sub3A_16, %add3A_17 : vector<1000x2xf32>
    %slice3A_19 = vector.extract_strided_slice %get3A_14 {offsets = [0, 0], sizes = [1000, 2], strides = [1, 1]} : vector<1000x4xf32> to vector<1000x2xf32>
    %mul3A = arith.constant 5.000000e-01 : f32
    %mul3A_20 = vector.broadcast %mul3A : f32 to vector<1000x2xf32>
    %mul3A_21 = arith.mulf %mul3A_20, %add3A_18 : vector<1000x2xf32>
    %add3A_22 = arith.addf %slice3A_19, %mul3A_21 : vector<1000x2xf32>
    %concatenate3A = tpu.concatenate %add3A_22, %add3A_18 in 1 : vector<1000x2xf32>, vector<1000x2xf32> -> vector<1000x4xf32>
    %get3A_23 = arith.constant 0 : index
    %get3A_24 = arith.constant 0 : index
    %get3A_25 = vector.load %arg8[%get3A_23, %get3A_24] : memref<1x4xf32, #tpu.memory_space<vmem>>, vector<1x4xf32>
    %sub3A_26 = vector.broadcast %get3A_25 : vector<1x4xf32> to vector<1000x4xf32>
    %sub3A_27 = arith.subf %concatenate3A, %sub3A_26 : vector<1000x4xf32>
    %get3A_28 = arith.constant 0 : index
    %get3A_29 = arith.constant 0 : index
    %get3A_30 = vector.load %arg9[%get3A_28, %get3A_29] : memref<1x4xf32, #tpu.memory_space<vmem>>, vector<1x4xf32>
    %add3A_31 = arith.constant 9.99999974E-6 : f32
    %add3A_32 = vector.broadcast %add3A_31 : f32 to vector<1x4xf32>
    %add3A_33 = arith.addf %get3A_30, %add3A_32 : vector<1x4xf32>
    %sqrt3A = math.sqrt %add3A_33 : vector<1x4xf32>
    %div3A_34 = vector.broadcast %sqrt3A : vector<1x4xf32> to vector<1000x4xf32>
    %div3A_35 = arith.divf %sub3A_27, %div3A_34 : vector<1000x4xf32>
    %get3A_36 = arith.constant 0 : index
    %get3A_37 = arith.constant 0 : index
    %get3A_38 = vector.load %arg6[%get3A_36, %get3A_37] : memref<1x4xf32, #tpu.memory_space<vmem>>, vector<1x4xf32>
    %mul3A_39 = vector.broadcast %get3A_38 : vector<1x4xf32> to vector<1000x4xf32>
    %mul3A_40 = arith.mulf %div3A_35, %mul3A_39 : vector<1000x4xf32>
    %get3A_41 = arith.constant 0 : index
    %get3A_42 = arith.constant 0 : index
    %get3A_43 = vector.load %arg7[%get3A_41, %get3A_42] : memref<1x4xf32, #tpu.memory_space<vmem>>, vector<1x4xf32>
    %add3A_44 = vector.broadcast %get3A_43 : vector<1x4xf32> to vector<1000x4xf32>
    %add3A_45 = arith.addf %mul3A_40, %add3A_44 : vector<1000x4xf32>
    %get3A_46 = arith.constant 0 : index
    %get3A_47 = arith.constant 0 : index
    %get3A_48 = vector.load %arg4[%get3A_46, %get3A_47] : memref<4x128xf32, #tpu.memory_space<vmem>>, vector<4x128xf32>
    %convert_element_type3A_49 = arith.truncf %add3A_45 : vector<1000x4xf32> to vector<1000x4xbf16>
    %convert_element_type3A_50 = arith.truncf %get3A_48 : vector<4x128xf32> to vector<4x128xbf16>
    %dot_general3A_51 = arith.constant dense<0.000000e+00> : vector<1000x128xf32>
    %dot_general3A_52 = tpu.matmul %convert_element_type3A_49, %convert_element_type3A_50, %dot_general3A_51 {dimension_numbers = #tpu.dot_dimension_numbers<[1], [0], [0], [1], [0, 0, 1, 1], [], []>, transpose_lhs_hint = false} : vector<1000x4xbf16>, vector<4x128xbf16>, vector<1000x128xf32> -> vector<1000x128xf32>
    %get3A_53 = arith.constant 0 : index
    %get3A_54 = arith.constant 0 : index
    %get3A_55 = vector.load %arg5[%get3A_53, %get3A_54] : memref<1x128xf32, #tpu.memory_space<vmem>>, vector<1x128xf32>
    %add3A_56 = vector.broadcast %get3A_55 : vector<1x128xf32> to vector<1000x128xf32>
    %add3A_57 = arith.addf %dot_general3A_52, %add3A_56 : vector<1000x128xf32>
    %max3A = arith.constant 0.000000e+00 : f32
    %max3A_58 = vector.broadcast %max3A : f32 to vector<1000x128xf32>
    %max3A_59 = arith.maximumf %add3A_57, %max3A_58 : vector<1000x128xf32>
    %get3A_60 = arith.constant 0 : index
    %get3A_61 = arith.constant 0 : index
    %get3A_62 = vector.load %arg0[%get3A_60, %get3A_61] : memref<1000x4096xf32, #tpu.memory_space<vmem>>, vector<1000x4096xf32>
    %get3A_63 = arith.constant 0 : index
    %get3A_64 = arith.constant 0 : index
    %get3A_65 = vector.load %arg10[%get3A_63, %get3A_64] : memref<4096x151xf32, #tpu.memory_space<vmem>>, vector<4096x151xf32>
    %convert_element_type3A_66 = arith.truncf %get3A_62 : vector<1000x4096xf32> to vector<1000x4096xbf16>
    %convert_element_type3A_67 = arith.truncf %get3A_65 : vector<4096x151xf32> to vector<4096x151xbf16>
    %dot_general3A_68 = arith.constant dense<0.000000e+00> : vector<1000x151xf32>
    %dot_general3A_69 = tpu.matmul %convert_element_type3A_66, %convert_element_type3A_67, %dot_general3A_68 {dimension_numbers = #tpu.dot_dimension_numbers<[1], [0], [0], [1], [0, 0, 1, 1], [], []>, transpose_lhs_hint = false} : vector<1000x4096xbf16>, vector<4096x151xbf16>, vector<1000x151xf32> -> vector<1000x151xf32>
    %get3A_70 = arith.constant 0 : index
    %get3A_71 = arith.constant 0 : index
    %get3A_72 = vector.load %arg11[%get3A_70, %get3A_71] : memref<20x151xf32, #tpu.memory_space<vmem>>, vector<20x151xf32>
    %convert_element_type3A_73 = arith.truncf %dot_general3A_11 : vector<1000x20xf32> to vector<1000x20xbf16>
    %convert_element_type3A_74 = arith.truncf %get3A_72 : vector<20x151xf32> to vector<20x151xbf16>
    %dot_general3A_75 = arith.constant dense<0.000000e+00> : vector<1000x151xf32>
    %dot_general3A_76 = tpu.matmul %convert_element_type3A_73, %convert_element_type3A_74, %dot_general3A_75 {dimension_numbers = #tpu.dot_dimension_numbers<[1], [0], [0], [1], [0, 0, 1, 1], [], []>, transpose_lhs_hint = false} : vector<1000x20xbf16>, vector<20x151xbf16>, vector<1000x151xf32> -> vector<1000x151xf32>
    %add3A_77 = arith.addf %dot_general3A_69, %dot_general3A_76 : vector<1000x151xf32>
    %get3A_78 = arith.constant 0 : index
    %get3A_79 = arith.constant 0 : index
    %get3A_80 = vector.load %arg12[%get3A_78, %get3A_79] : memref<128x151xf32, #tpu.memory_space<vmem>>, vector<128x151xf32>
    %convert_element_type3A_81 = arith.truncf %max3A_59 : vector<1000x128xf32> to vector<1000x128xbf16>
    %convert_element_type3A_82 = arith.truncf %get3A_80 : vector<128x151xf32> to vector<128x151xbf16>
    %dot_general3A_83 = arith.constant dense<0.000000e+00> : vector<1000x151xf32>
    %dot_general3A_84 = tpu.matmul %convert_element_type3A_81, %convert_element_type3A_82, %dot_general3A_83 {dimension_numbers = #tpu.dot_dimension_numbers<[1], [0], [0], [1], [0, 0, 1, 1], [], []>, transpose_lhs_hint = false} : vector<1000x128xbf16>, vector<128x151xbf16>, vector<1000x151xf32> -> vector<1000x151xf32>
    %add3A_85 = arith.addf %add3A_77, %dot_general3A_84 : vector<1000x151xf32>
    %get3A_86 = arith.constant 0 : index
    %get3A_87 = arith.constant 0 : index
    %get3A_88 = vector.load %arg13[%get3A_86, %get3A_87] : memref<1x151xf32, #tpu.memory_space<vmem>>, vector<1x151xf32>
    %add3A_89 = vector.broadcast %get3A_88 : vector<1x151xf32> to vector<1000x151xf32>
    %add3A_90 = arith.addf %add3A_85, %add3A_89 : vector<1000x151xf32>
    %swap3A = arith.constant 0 : index
    %swap3A_91 = arith.constant 0 : index
    %swap3A_92 = vector.load %arg14[%swap3A, %swap3A_91] : memref<1000x151xf32, #tpu.memory_space<vmem>>, vector<1000x151xf32>
    tpu.vector_store %arg14[%swap3A, %swap3A_91], %add3A_90 {strides = array<i32>} : memref<1000x151xf32, #tpu.memory_space<vmem>>, vector<1000x151xf32>,
    %reduce_max3A_93 = arith.constant dense<0xFF800000> : vector<1000xf32>
    %reduce_max3A_94 = vector.multi_reduction <maximumf>, %add3A_90, %reduce_max3A_93 [1] : vector<1000x151xf32> to vector<1000xf32>
    %broadcast_in_dim3A_95 = vector.shape_cast %reduce_max3A_94 : vector<1000xf32> to vector<1000x1xf32>
    %sub3A_96 = vector.broadcast %broadcast_in_dim3A_95 : vector<1000x1xf32> to vector<1000x151xf32>
    %sub3A_97 = arith.subf %add3A_90, %sub3A_96 : vector<1000x151xf32>
    %exp3A_98 = math.exp %sub3A_97 : vector<1000x151xf32>
    %reduce_sum3A_99 = arith.constant dense<0.000000e+00> : vector<1000xf32>
    %reduce_sum3A_100 = vector.multi_reduction <add>, %exp3A_98, %reduce_sum3A_99 [1] : vector<1000x151xf32> to vector<1000xf32>
    %broadcast_in_dim3A_101 = vector.shape_cast %reduce_sum3A_100 : vector<1000xf32> to vector<1000x1xf32>
    %div3A_102 = vector.broadcast %broadcast_in_dim3A_101 : vector<1000x1xf32> to vector<1000x151xf32>
    %div3A_103 = arith.divf %exp3A_98, %div3A_102 : vector<1000x151xf32>
    %swap3A_104 = arith.constant 0 : index
    %swap3A_105 = arith.constant 0 : index
    %swap3A_106 = vector.load %arg15[%swap3A_104, %swap3A_105] : memref<1000x151xf32, #tpu.memory_space<vmem>>, vector<1000x151xf32>
    tpu.vector_store %arg15[%swap3A_104, %swap3A_105], %div3A_103 {strides = array<i32>} : memref<1000x151xf32, #tpu.memory_space<vmem>>, vector<1000x151xf32>,
    return
  }
}

module attributes {stable_mosaic.version = 14 : i64} {
  func.func @_argmax_body(%arg0: memref<1000x151xf32, #tpu.memory_space<vmem>>, %arg1: memref<1000x151xf32, #tpu.memory_space<vmem>>, %arg2: memref<1000x1xi32, #tpu.memory_space<vmem>>) attributes {dimension_semantics = [], scalar_prefetch = 0 : i64, scratch_operands = 0 : i64, tpu.core_type = #tpu.core_type<tc>} {
    %get3A = arith.constant 0 : index
    %get3A_0 = arith.constant 0 : index
    %get3A_1 = vector.load %arg0[%get3A, %get3A_0] : memref<1000x151xf32, #tpu.memory_space<vmem>>, vector<1000x151xf32>
    %get3A_2 = arith.constant 0 : index
    %get3A_3 = arith.constant 0 : index
    %get3A_4 = vector.load %arg1[%get3A_2, %get3A_3] : memref<1000x151xf32, #tpu.memory_space<vmem>>, vector<1000x151xf32>
    %mul3A = arith.mulf %get3A_1, %get3A_4 : vector<1000x151xf32>
    %iota3A = tpu.iota {dimensions = array<i32: 1>} : vector<1000x151xi32>
    %ge3A = arith.constant 1 : i32
    %ge3A_5 = vector.broadcast %ge3A : i32 to vector<1000x151xi32>
    %ge3A_6 = arith.cmpi sge, %iota3A, %ge3A_5 : vector<1000x151xi32>
    %jit3A = arith.constant -1.000000e+00 : f32
    %broadcast_in_dim3A = vector.broadcast %jit3A : f32 to vector<1000x151xf32>
    %select_n3A = arith.select %ge3A_6, %mul3A, %broadcast_in_dim3A : vector<1000x151xi1>, vector<1000x151xf32>
    %reduce_max3A = arith.constant dense<0xFF800000> : vector<1000xf32>
    %reduce_max3A_7 = vector.multi_reduction <maximumf>, %select_n3A, %reduce_max3A [1] : vector<1000x151xf32> to vector<1000xf32>
    %broadcast_in_dim3A_8 = vector.shape_cast %reduce_max3A_7 : vector<1000xf32> to vector<1000x1xf32>
    %eq3A = vector.broadcast %broadcast_in_dim3A_8 : vector<1000x1xf32> to vector<1000x151xf32>
    %eq3A_9 = arith.cmpf oeq, %select_n3A, %eq3A : vector<1000x151xf32>
    %and3A = arith.andi %eq3A_9, %ge3A_6 : vector<1000x151xi1>
    %jit3A_10 = arith.constant 1073741824 : i32
    %broadcast_in_dim3A_11 = vector.broadcast %jit3A_10 : i32 to vector<1000x151xi32>
    %select_n3A_12 = arith.select %and3A, %iota3A, %broadcast_in_dim3A_11 : vector<1000x151xi1>, vector<1000x151xi32>
    %reduce_min3A = arith.constant dense<2147483647> : vector<1000xi32>
    %reduce_min3A_13 = vector.multi_reduction <minsi>, %select_n3A_12, %reduce_min3A [1] : vector<1000x151xi32> to vector<1000xi32>
    %broadcast_in_dim3A_14 = vector.shape_cast %reduce_min3A_13 : vector<1000xi32> to vector<1000x1xi32>
    %swap3A = arith.constant 0 : index
    %swap3A_15 = arith.constant 0 : index
    %swap3A_16 = vector.load %arg2[%swap3A, %swap3A_15] : memref<1000x1xi32, #tpu.memory_space<vmem>>, vector<1000x1xi32>
    tpu.vector_store %arg2[%swap3A, %swap3A_15], %broadcast_in_dim3A_14 {strides = array<i32>} : memref<1000x1xi32, #tpu.memory_space<vmem>>, vector<1000x1xi32>,
    return
  }
}

</mosaic_0001>

<sc_bundles>
// kernel: kernel.5.cloned.1.call-start
scs
__scs_entry_jumppad:
0x0: {  	(pc) =	sbr.rel $0x88, $3  }
0x1: {  	(tag) =	ssettag $0x0;
	lr =	simm.s32 $0x1  }
0x2: {  	[smem:$0x3F94] =	sst lr;
	_ =	strace $0xD0000000  }
0x3: {  	_ = 	snop  }
0x4: {  	_ = 	snop  }
0x5: {  	_ = 	snop  }
0x6: {  	_ = 	snop  }
0x7: {  	_ = 	snop  }
__scs_overlays_trampoline_lowered:
0x8: {  	[smem:$0x3FA3] =	sst s0  }
0x9: {  	[smem:$0x3FA4] =	sst s1  }
0xa: {  	[smem:$0x3FA5] =	sst s2  }
0xb: {  	[smem:$0x3FA6] =	sst s3  }
0xc: {  	[smem:$0x3FA7] =	sst s4  }
0xd: {  	[smem:$0x3FA8] =	sst s5  }
0xe: {  	[smem:$0x3FA9] =	sst s6  }
0xf: {  	[smem:$0x3FAA] =	sst s7  }
0x10: {  	[smem:$0x3FAB] =	sst s8  }
0x11: {  	[smem:$0x3FAC] =	sst s9;
	s0 =	simm.s32 @!p0 $0x0  }
0x12: {  	s1 =	sld [smem:$0x3F92];
	s0 =	simm.s32 @p0 $0x1  }
0x13: {  	[smem:$0x3FAD] =	sst s0;
	s0 =	simm.s32 @!p1 $0x0  }
0x14: {  	s2 =	sld [smem:$0x3F91];
	s0 =	simm.s32 @p1 $0x1  }
0x15: {  	[smem:$0x3FAE] =	sst s0;
	s0 =	simm.s32 @!p2 $0x0  }
0x16: {  	s3 =	sld [smem:$0x3FDB];
	s0 =	simm.s32 @p2 $0x1  }
0x17: {  	s4 =	simm.s32 $0x1BF5;
	[smem:$0x3FB0] =	sst s0  }
0x18: {  	s0 =	sld [smem:$0x3F93];
	_ =	swait.ge [sflag:s4], $0x0  }
0x19: {  	s7 =	sld [smem:$0x3F94]  }
0x1a: {  	s8 =	sadd.s32 $0xFFFFE003, lr  }
0x1b: {  	s9 =	sadd.s32 $0xFFFFFEF7, lr;
	s5 =	simm.s32 $0xFFFFFFFF;
	p2 =	slt.u32 s8, $0xFFFFF086  }
0x1c: {  	p1 =	slt.u32 s9, $0xF7A;
	s5 =	simm.s32 @!p2 $0x0  }
0x1d: {  	s5 =	simm.s32 @p1 $0x1;
	p0 =	seq.s32 s7, s2  }
0x1e: {  	s7 =	smul.u32 @!p0 $0xF7A, s2;
	p2 =	seq.s32 @!p0 s5, $0x0  }
0x1f: {  	s9 =	smul.u32 $0xF7A, s1;
	s8 =	simm.s32 @!p0 $0x1BF5;
	p2 =	por !p2, p0  }
0x20: {  	[sflag:s8] =	ssyncset.s32 @!p0 $0xFFFFF086;
	s6 =	sadd.s32 @!p0 s3, s7;
	s7 =	simm.s32 @!p0 $0x108  }
0x21: {  	s3 =	sadd.s32 s3, s9;
	s6 =	sadd.s32 @!p0 $0x88, s6;
	s7 =	simm.s32 @p2 $0x1082  }
0x22: {  	[simem:s7], [sflag:s8] =	dma.local @!p0 [hbm:s6], $0xF7A  }
0x23: {  	s9 =	sor.u32 $0xD0000000, s2;
	s6 =	simm.s32 $0x108;
	_ =	swait.ge @!p0 [sflag:s8], $0x0  }
0x24: {  	s3 =	sadd.s32 $0x88, s3;
	s6 =	simm.s32 @!p1 $0x1082;
	[sflag:s4] =	ssyncset.s32 $0xFFFFF086  }
0x25: {  	[simem:s6], [sflag:s4] =	dma.local [hbm:s3], $0xF7A  }
0x26: {  	[smem:$0x3F94] =	sst s1;
	(tag) =	ssettag s2;
	_ =	strace s9  }
0x27: {  	s1 =	sld [smem:$0x3FA4]  }
0x28: {  	s2 =	sld [smem:$0x3FA5]  }
0x29: {  	s4 =	sld [smem:$0x3FA7]  }
0x2a: {  	p0 =	seq.s32 s5, $0x0;
	s5 =	sld [smem:$0x3FA8]  }
0x2b: {  	s6 =	sld [smem:$0x3FA9]  }
0x2c: {  	s7 =	sld [smem:$0x3FAA]  }
0x2d: {  	s3 =	simm.s32 $0x108;
	s8 =	sld [smem:$0x3FAB]  }
0x2e: {  	s3 =	simm.s32 @!p0 $0x1082;
	s9 =	sld [smem:$0x3FAC]  }
0x2f: {  	lr =	sadd.s32 s0, s3;
	s0 =	sld [smem:$0x3FA3]  }
0x30: {  	s3 =	sld [smem:$0x3FA6]  }
0x31: {  	[smem:$0x3FAF] =	sst s10  }
0x32: {  	s10 =	sld [smem:$0x3FAD];
	_ =	sdelay $0x3  }
0x33: {  	p0 =	seq.s32 s10, $0x1;
	s10 =	sld [smem:$0x3FAF];
	_ =	sdelay $0x3  }
0x34: {  	[smem:$0x3FAF] =	sst s10  }
0x35: {  	s10 =	sld [smem:$0x3FAE];
	_ =	sdelay $0x3  }
0x36: {  	p1 =	seq.s32 s10, $0x1;
	s10 =	sld [smem:$0x3FAF];
	_ =	sdelay $0x3  }
0x37: {  	[smem:$0x3FAF] =	sst s10  }
0x38: {  	s10 =	sld [smem:$0x3FB0]  }
0x39: {  	_ = 	snop;
	(pc) =	sbr.ind lr, $3  }
0x3a: {  	_ = 	snop  }
0x3b: {  	_ = 	snop  }
0x3c: {  	p2 =	seq.s32 s10, $0x1;
	s10 =	sld [smem:$0x3FAF]  }
0x3d: {  	_ =	shalt  }
0x3e: {  	_ =	shalt  }
0x3f: {  	_ =	shalt  }
0x40: {  	_ =	shalt  }
0x41: {  	_ =	shalt  }
0x42: {  	_ =	shalt  }
0x43: {  	_ =	shalt  }
0x44: {  	_ =	shalt  }
0x45: {  	_ =	shalt  }
0x46: {  	_ =	shalt  }
0x47: {  	_ =	shalt  }
0x48: {  	_ =	shalt  }
0x49: {  	_ =	shalt  }
0x4a: {  	_ =	shalt  }
0x4b: {  	_ =	shalt  }
0x4c: {  	_ =	shalt  }
0x4d: {  	_ =	shalt  }
0x4e: {  	_ =	shalt  }
0x4f: {  	_ =	shalt  }
0x50: {  	_ =	shalt  }
0x51: {  	_ =	shalt  }
0x52: {  	_ =	shalt  }
0x53: {  	_ =	shalt  }
0x54: {  	_ =	shalt  }
0x55: {  	_ =	shalt  }
0x56: {  	_ =	shalt  }
0x57: {  	_ =	shalt  }
0x58: {  	_ =	shalt  }
0x59: {  	_ =	shalt  }
0x5a: {  	_ =	shalt  }
0x5b: {  	_ =	shalt  }
0x5c: {  	_ =	shalt  }
0x5d: {  	_ =	shalt  }
0x5e: {  	_ =	shalt  }
0x5f: {  	_ =	shalt  }
0x60: {  	_ =	shalt  }
0x61: {  	_ =	shalt  }
0x62: {  	_ =	shalt  }
0x63: {  	_ =	shalt  }
0x64: {  	_ =	shalt  }
0x65: {  	_ =	shalt  }
0x66: {  	_ =	shalt  }
0x67: {  	_ =	shalt  }
0x68: {  	_ =	shalt  }
0x69: {  	_ =	shalt  }
0x6a: {  	_ =	shalt  }
0x6b: {  	_ =	shalt  }
0x6c: {  	_ =	shalt  }
0x6d: {  	_ =	shalt  }
0x6e: {  	_ =	shalt  }
0x6f: {  	_ =	shalt  }
0x70: {  	_ =	shalt  }
0x71: {  	_ =	shalt  }
0x72: {  	_ =	shalt  }
0x73: {  	_ =	shalt  }
0x74: {  	_ =	shalt  }
0x75: {  	_ =	shalt  }
0x76: {  	_ =	shalt  }
0x77: {  	_ =	shalt  }
0x78: {  	_ =	shalt  }
0x79: {  	_ =	shalt  }
0x7a: {  	_ =	shalt  }
0x7b: {  	_ =	shalt  }
0x7c: {  	_ =	shalt  }
0x7d: {  	_ =	shalt  }
0x7e: {  	_ =	shalt  }
0x7f: {  	_ =	shalt  }
0x80: {  	_ =	shalt  }
0x81: {  	_ =	shalt  }
0x82: {  	_ =	shalt  }
0x83: {  	_ =	shalt  }
0x84: {  	_ =	shalt  }
0x85: {  	_ =	shalt  }
0x86: {  	_ =	shalt  }
0x87: {  	_ =	shalt  }
.Lfunc_end0:
.L_simem_size_0:
called_computation_lowered:
.L_overlay_start_0:
0x88: {  	s2 =	sld [smem:$0x3FD9]  }
0x89: {  	s3 =	sld [smem:$0x3FFE];
	_ =	sdelay $0x1  }
0x8a: {  	s1 =	srdreg.scid  }
0x8b: {  	s0 =	sand.u32 $0x1, s1  }
0x8c: {  	s16 =	sshll.u32 s0, $0xA;
	s2 =	sadd.s32 s3, s2  }
0x8d: {  	s2 =	sadd.s32 s2, s16  }
0x8e: {  	[smem:$0x3FBB] =	sst s2  }
0x8f: {  	_ = 	snop  }
0x90: {  	(tm) =	ssettm $0x1  }
0x91: {  	s17 =	sld [smem:$0x3FFB];
	_ =	sdelay $0x3  }
0x92: {  	_ =	strace s17  }
0x93: {  	s2 =	sld [smem:$0x3FFC];
	_ =	sdelay $0x3  }
0x94: {  	_ =	strace s2  }
0x95: {  	s2 =	sld [smem:$0x3FFD];
	_ =	sdelay $0x3  }
0x96: {  	_ =	strace s2  }
0x97: {  	_ =	strace $0x8FFFFFFF  }
0x98: {  	s18 =	sld [smem:$0x3FDB];
	_ =	sdelay $0x1  }
0x99: {  	s19 =	simm.s32 $_scs_section_size  }
0x9a: {  	s4 =	simm.s32 $_size__tile_overlayer_lowered;
	s5 =	simm.s32 $_tile_overlayer_lowered  }
0x9b: {  	s22 =	simm.s32 $0x1BFF;
	s21 =	sshll.u32 s5, $0x1;
	s2 =	sadd.s32 s19, s18  }
0x9c: {  	s6 =	simm.s32 $0x0;
	s20 =	sshll.u32 s4, $0x1;
	s4 =	sadd.s32 s21, s2  }
0x9d: {  	[timem:s6], [sflag:s22] =	dma.local [hbm:s4], s20  }
0x9e: {  	_ =	swait.ge [sflag:s22], s20  }
0x9f: {  	s3 =	ssub.s32 $0x0, s20;
	[sflag:s22] =	ssyncset.done $0x0  }
0xa0: {  	[sflag:s22] =	ssyncadd.s32 s3;
	_ =	sdelay $0x1  }
0xa1: {  	s23 =	simm.s32 $0x1B8B  }
0xa2: {  	_ =	swait.ge [sflag:s23], $0x1  }
0xa3: {  	[sflag:s23] =	ssyncset.done $0x0  }
0xa4: {  	s25 =	simm.s32 $0x1B8E;
	s24 =	sld [smem:$0x3FFE];
	[sflag:s23] =	ssyncadd.s32 $0xFFFFFFFF  }
0xa5: {  	s26 =	simm.s32 $execute0_lowered;
	[smem:$0x3FD2] =	sst s25  }
0xa6: {  	s4 =	sshll.u32 s26, $0x1;
	_ =	strace $0x80000046;
	[dreg:$0x1] =	wrdreg $0xFFFFFFFF  }
0xa7: {  	s28 =	simm.s32 $_size_execute0_lowered;
	s2 =	sadd.s32 s2, s4;
	[dreg:$0x0] =	wrdreg $0x0  }
0xa8: {  	s4 =	sshll.u32 s28, $0x1;
	[dreg:$0x2] =	wrdreg s2  }
0xa9: {  	[dreg:$0x3] =	wrdreg s4  }
0xaa: {  	[dreg:$0x4] =	wrdreg $0xC0  }
0xab: {  	_ =	task [dreg:s6], $0x5FFFF  }
0xac: {  	[dreg:$0x1] =	wrdreg $0xFFFFFFFF  }
0xad: {  	[dreg:$0x0] =	wrdreg $0x60  }
0xae: {  	[dreg:$0x2] =	wrdreg s24  }
0xaf: {  	[dreg:$0x3] =	wrdreg $0x9  }
0xb0: {  	_ =	task.clear_ibuf [dreg:s6], $0x4FFFF;
	_ =	strace $0x90000046  }
0xb1: {  	s29 =	simm.s32 $0x9;
	_ =	strace $0x80000048  }
0xb2: {  	_ =	swait.ge [sflag:s29], $0x1  }
0xb3: {  	[sflag:s29] =	ssyncadd.s32 $0xFFFFFFFF  }
0xb4: {  	_ =	strace $0x90000048  }
0xb5: {  	_ =	sfence  }
0xb6: {  	s30 =	sld [smem:$0x0];
	_ =	sdelay $0x2  }
0xb7: {  	s31 =	sshll.u32 s1, $0xD;
	s1 =	sshrl.u32 s1, $0x2  }
0xb8: {  	s3 =	sand.u32 $0x4000, s31;
	s1 =	sadd.s32 s1, s30  }
0xb9: {  	s0 =	sor.u32 s3, s0;
	s1 =	sshll.u32 s1, $0x11  }
0xba: {  	s0 =	sor.u32 s1, s0  }
0xbb: {  	s0 =	sadd.s32 $0x8F2B, s0  }
0xbc: {  	[sflag:s0] =	ssyncadd.remote.s32 $0x1  }
0xbd: {  	_ =	sfence.sel $0xFFFF  }
0xbe: {  	[dreg:$0x0] =	wrdreg $0xFFFFFFFF;
	(pc) =	sbr.abs _section_cstart, $3  }
0xbf: {  	[dreg:$0x1] =	wrdreg $0xFFFFFFFF  }
0xc0: {  	_ =	task.clear_ibuf [dreg:s6], $0x2FFFF;
	_ =	strace $0x9FFFFFFF  }
0xc1: {  	(tm) =	ssettm $0x7FFFFFFF  }
tec
execute0_lowered:
.L_overlay_start_1:
0x0: {  	(tag) =	ssettag $0x1  }
0x1: {  	v0 =	vimm.s32 $0xFEDCBA98;
	s8 =	rddreg [dreg:$0x0];
	v1 =	vimm.s32 $0x76543210;
	v2 =	vimm.s32 $0xBA98FEDC  }
0x2: {  	s0 =	rddreg [dreg:$0x1];
	s1 =	simm.s32 $0x0;
	v3 =	vimm.s32 $0x32107654;
	v4 =	vimm.s32 $0xDCFE98BA;
	v5 =	vimm.s32 $0x54761032  }
0x3: {  	s6 =	srdreg.scid;
	v6 =	vimm.s32 $0xEFCDAB89;
	v7 =	vimm.s32 $0x67452301;
	s13 =	simm.s32 $0x400;
	s14 =	simm.s32 $0x2  }
0x4: {  	s15 =	simm.s32 $0x800;
	s16 =	simm.s32 $0xC00;
	s17 =	simm.s32 $0x1000;
	v0 =	vunpack.c.l.s4.s8 v0;
	v1 =	vunpack.c.l.s4.s8 v1;
	v2 =	vunpack.c.l.s4.s8 v2  }
0x5: {  	s18 =	simm.s32 $0x1;
	s19 =	simm.s32 $0x1800;
	[smem:$0x7FF] =	sst s1;
	v3 =	vunpack.c.l.s4.s8 v3;
	v4 =	vunpack.c.l.s4.s8 v4;
	v5 =	vunpack.c.l.s4.s8 v5  }
0x6: {  	s2 =	sadd.s32 $0x15400, s8;
	s3 =	sadd.s32 $0x2400, s8;
	s4 =	sadd.s32 $0x7000, s8;
	v6 =	vunpack.c.l.s4.s8 v6;
	v7 =	vunpack.c.l.s4.s8 v7;
	v0 =	vunpack.c.0.s8.s32 v0  }
.Ltmp0:
0x7: {  	s5 =	sadd.s32 $0xBC00, s8;
	s9 =	sand.u32 $0x1, s6;
	v1 =	vunpack.c.0.s8.s32 v1;
	v2 =	vunpack.c.0.s8.s32 v2;
	v3 =	vunpack.c.0.s8.s32 v3;
	(pc) =	sbr.rel .LBB2_1-.Ltmp0, $4  }
0x8: {  	s7 =	sadd.s32 $0x10800, s8;
	s6 =	stileid.u32;
	s10 =	ssub.s32 $0x2, s9;
	v4 =	vunpack.c.0.s8.s32 v4;
	v5 =	vunpack.c.0.s8.s32 v5;
	v0 =	vand.u32 $0xF, v0  }
0x9: {  	s8 =	sadd.s32 $0x1A000, s8;
	_ =	strace $0x80000047;
	s11 =	sshrl.u32 s10, $0x1;
	v6 =	vunpack.c.0.s8.s32 v6;
	v7 =	vunpack.c.0.s8.s32 v7;
	v0 =	vcombine.low v0, v1  }
0xa: {  	s12 =	sshll.u32 s6, $0x4;
	s9 =	sshll.u32 s9, $0x4;
	s11 =	ssub.s32 s10, s11;
	v1 =	vcombine.low v3, v2;
	v2 =	vcombine.low v5, v4  }
0xb: {  	s10 =	sand.u32 $0x70, s12;
	s12 =	simm.s32 $0x80;
	s11 =	smax.u32 s11, $0x1;
	v3 =	vimm.f32 $0.0e+00;
	v4 =	vcombine.low v7, v6;
	v5 =	vlaneseq.u32  }
.LBB2_19:
0xc: {  	s1 =	sadd.s32 $0x1, s1  }
0xd: {  	p0 =	sne.s32 s1, s11  }
.Ltmp1:
0xe: {  	_ = 	snop;
	(pc) =	sbr.rel @!p0 .LBB2_20-.Ltmp1, $1  }
0xf: {  	_ =	sdelay $0x3  }
.LBB2_1:
.Ltmp2:
0x10: {  	(pc) =	sbr.rel .LBB2_2-.Ltmp2, $2  }
0x11: {  	_ =	sdelay $0x2  }
0x12: {  	s20 =	simm.s32 $0x0  }
.LBB2_17:
0x13: {  	s21 =	sadd.s32 s8, s21  }
0x14: {  	[hbm4b:s21+s12] =	stream.strided.scatter [tilespmem:s19], [sflag:$0x1], $0x400, s13, s12, $0x38;
	[tilespmem:$0x1C00] =	vst v63  }
0x15: {  	_ =	swait.ge [sflag:s18], $0x400  }
0x16: {  	[sflag:s18] =	ssyncset.done $0x0  }
0x17: {  	[sflag:s18] =	ssyncadd.s32 $0xFFFFFC00  }
.LBB2_18:
0x18: {  	s20 =	sadd.s32 $0x1, s20  }
0x19: {  	p0 =	sne.s32 s20, $0x5  }
.Ltmp3:
0x1a: {  	_ = 	snop;
	(pc) =	sbr.rel @!p0 .LBB2_19-.Ltmp3, $1  }
0x1b: {  	_ =	sdelay $0x3  }
.LBB2_2:
0x1c: {  	s21 =	sshll.u32 s20, $0x5  }
0x1d: {  	s21 =	sor.u32 s21, s9  }
0x1e: {  	s21 =	sor.u32 s6, s21  }
0x1f: {  	p0 =	sgt.u32 s21, $0x95  }
.Ltmp4:
0x20: {  	_ = 	snop;
	(pc) =	sbr.rel @p0 .LBB2_18-.Ltmp4, $1  }
0x21: {  	_ =	sdelay $0x3  }
0x22: {  	s21 =	sshll.u32 s21, $0x7  }
0x23: {  	s21 =	sand.u32 $0x7C00, s21  }
0x24: {  	s21 =	sor.u32 s10, s21  }
0x25: {  	s23 =	simm.s32 $0x0;
	s22 =	sadd.s32 s2, s21  }
0x26: {  	[tilespmem:s23], [sflag:$0x2] =	stream.strided.gather [hbm4b:s22+s12], $0x400, s13, s12, $0x38;
	[tilespmem:$0x1C00] =	vst v63  }
0x27: {  	_ =	swait.ge [sflag:s14], $0x400  }
0x28: {  	[sflag:s14] =	ssyncset.done $0x0  }
0x29: {  	s28 =	sadd.s32 s3, s21;
	[sflag:s14] =	ssyncadd.s32 $0xFFFFFC00  }
0x2a: {  	[tilespmem:s13], [sflag:$0x2] =	stream.strided.gather [hbm4b:s28+s12], $0x400, s13, s12, $0x38;
	[tilespmem:$0x1C00] =	vst v63  }
0x2b: {  	_ =	swait.ge [sflag:s14], $0x400  }
0x2c: {  	[sflag:s14] =	ssyncset.done $0x0  }
0x2d: {  	s29 =	sadd.s32 s4, s21;
	[sflag:s14] =	ssyncadd.s32 $0xFFFFFC00  }
0x2e: {  	[tilespmem:s15], [sflag:$0x2] =	stream.strided.gather [hbm4b:s29+s12], $0x400, s13, s12, $0x38;
	[tilespmem:$0x1C00] =	vst v63  }
0x2f: {  	_ =	swait.ge [sflag:s14], $0x400  }
0x30: {  	[sflag:s14] =	ssyncset.done $0x0  }
0x31: {  	s30 =	sadd.s32 s5, s21;
	[sflag:s14] =	ssyncadd.s32 $0xFFFFFC00  }
0x32: {  	[tilespmem:s16], [sflag:$0x2] =	stream.strided.gather [hbm4b:s30+s12], $0x400, s13, s12, $0x38;
	[tilespmem:$0x1C00] =	vst v63  }
0x33: {  	_ =	swait.ge [sflag:s14], $0x400  }
0x34: {  	[sflag:s14] =	ssyncset.done $0x0  }
0x35: {  	s31 =	sadd.s32 s7, s21;
	[sflag:s14] =	ssyncadd.s32 $0xFFFFFC00  }
0x36: {  	[tilespmem:s17], [sflag:$0x2] =	stream.strided.gather [hbm4b:s31+s12], $0x400, s13, s12, $0x38;
	[tilespmem:$0x1C00] =	vst v63  }
0x37: {  	_ =	swait.ge [sflag:s14], $0x400  }
0x38: {  	[sflag:s14] =	ssyncset.done $0x0  }
0x39: {  	s22 =	simm.s32 $0x0;
	[sflag:s14] =	ssyncadd.s32 $0xFFFFFC00  }
0x3a: {  	v8 =	vld [tilespmem:s22+$0xC00]  }
0x3b: {  	v9 =	vld [tilespmem:s22+$0x400]  }
0x3c: {  	v10 =	vld [tilespmem:s22+$0x1000]  }
0x3d: {  	v11 =	vld [tilespmem:s22+$0x800];
	_ =	sdelay $0x1  }
0x3e: {  	s24 =	simm.s32 $0x10;
	[tilespmem:s22+$0x1800] =	vst v3  }
0x3f: {  	v6 =	vld [tilespmem:s24+$0xC00]  }
0x40: {  	v7 =	vld [tilespmem:s24+$0x400]  }
0x41: {  	v12 =	vsub.f32 v8, v9;
	v11 =	vsub.f32 v10, v11;
	v8 =	vld [tilespmem:s24+$0x1000]  }
0x42: {  	v9 =	vld [tilespmem:s24+$0x800]  }
0x43: {  	s26 =	simm.s32 $0x80;
	s25 =	simm.s32 $0x0;
	s23 =	simm.s32 $0x40;
	[tilespmem:s24+$0x1800] =	vst v3;
	v10 =	vadd.f32 $1.000000000e+00, v12;
	v11 =	vadd.f32 $1.000000000e+00, v11  }
.LBB2_4:
0x44: {  	s28 =	sshra.s32 s26, $0x2;
	v12 =	vmov v6;
	p0 =	sne.s32 s26, $0xFC0  }
.Ltmp5:
0x45: {  	v6 =	vld [tilespmem:s28+$0xC00];
	[tilespmem:s28+$0x1800] =	vst v3;
	v10 =	vmul.f32 v11, v10;
	v11 =	vmov v7;
	(pc) =	sbr.rel @p0 .LBB2_4-.Ltmp5, $4  }
0x46: {  	v7 =	vld [tilespmem:s28+$0x400]  }
0x47: {  	s26 =	sadd.s32 $0x40, s26;
	v11 =	vsub.f32 v12, v11;
	v12 =	vsub.f32 v8, v9;
	v8 =	vld [tilespmem:s28+$0x1000];
	[tilespmem:s25+$0x1400] =	vst v10;
	s25 =	smov.u32 s24  }
0x48: {  	s24 =	smov.u32 s28;
	v9 =	vld [tilespmem:s28+$0x800]  }
0x49: {  	v10 =	vadd.f32 $1.000000000e+00, v11;
	v11 =	vadd.f32 $1.000000000e+00, v12  }
0x4a: {  	_ =	sdelay $0x2  }
0x4b: {  	v6 =	vsub.f32 v6, v7;
	v7 =	vsub.f32 v8, v9;
	_ =	sdelay $0x1  }
0x4c: {  	v6 =	vadd.f32 $1.000000000e+00, v6;
	v7 =	vadd.f32 $1.000000000e+00, v7  }
0x4d: {  	v8 =	vmul.f32 v11, v10  }
0x4e: {  	v6 =	vmul.f32 v7, v6  }
0x4f: {  	[tilespmem:s25+$0x1400] =	vst v8  }
0x50: {  	[tilespmem:s24+$0x1400] =	vst v6  }
0x51: {  	v6 =	vimm.f32 $-2.000000000e+00;
	v7 =	vld [tilespmem:s22+$0x0]  }
.LBB2_6:
0x52: {  	p0 =	sne.s32 s23, $0xFC0  }
.Ltmp6:
0x53: {  	_ = 	snop;
	(pc) =	sbr.rel @p0 .LBB2_6-.Ltmp6, $3  }
0x54: {  	_ =	sdelay $0x1  }
0x55: {  	s22 =	sshra.s32 s23, $0x2;
	s23 =	sadd.s32 $0x40, s23;
	v6 =	vmax.f32 v6, v7  }
0x56: {  	v7 =	vld [tilespmem:s22+$0x0]  }
0x57: {  	_ =	sdelay $0x3  }
0x58: {  	v6 =	vmax.f32 v6, v7  }
0x59: {  	v7 =	vperm.xlane v6, v0;
	_ =	sdelay $0x1  }
0x5a: {  	v6 =	vmax.f32 v6, v7  }
0x5b: {  	v7 =	vperm.xlane v6, v1;
	_ =	sdelay $0x1  }
0x5c: {  	v6 =	vmax.f32 v6, v7  }
0x5d: {  	s23 =	simm.s32 $0x0;
	v7 =	vperm.xlane v6, v2  }
0x5e: {  	v8 =	vld [tilespmem:s23+$0x0]  }
0x5f: {  	v6 =	vmax.f32 v6, v7  }
0x60: {  	v7 =	vperm.xlane v6, v4;
	_ =	sdelay $0x1  }
0x61: {  	v6 =	vmax.f32 v6, v7  }
0x62: {  	s22 =	simm.s32 $0x10;
	v7 =	vimm.s32 $0x40000000;
	vm0 =	veq.f32 v8, v6;
	v8 =	vor.u32 s23, v5;
	s23 =	simm.s32 $0x10  }
.LBB2_8:
0x63: {  	v9 =	vld [tilespmem:s23+$0x0];
	p0 =	sne.s32 s22, $0x3F0;
	v8 =	vnsel vm0, $0x40000000, v8;
	s24 =	smov.u32 s22;
	s22 =	sadd.s32 $0x10, s22  }
.Ltmp7:
0x64: {  	vm0 =	vlt.s32 v7, v8;
	(pc) =	sbr.rel @p0 .LBB2_8-.Ltmp7, $2  }
0x65: {  	v7 =	vsel vm0, v7, v8;
	_ =	sdelay $0x2  }
0x66: {  	s23 =	sadd.s32 $0x10, s23;
	v8 =	vor.u32 s24, v5;
	vm0 =	veq.f32 v9, v6  }
0x67: {  	v8 =	vnsel vm0, $0x40000000, v8  }
0x68: {  	vm0 =	vlt.s32 v7, v8  }
0x69: {  	v7 =	vsel vm0, v7, v8  }
0x6a: {  	v8 =	vperm.xlane v7, v0;
	_ =	sdelay $0x1  }
0x6b: {  	vm0 =	vlt.s32 v7, v8  }
0x6c: {  	v7 =	vsel vm0, v7, v8  }
0x6d: {  	v8 =	vperm.xlane v7, v1;
	_ =	sdelay $0x1  }
0x6e: {  	vm0 =	vlt.s32 v7, v8  }
0x6f: {  	v7 =	vsel vm0, v7, v8  }
0x70: {  	v8 =	vperm.xlane v7, v2;
	_ =	sdelay $0x1  }
0x71: {  	vm0 =	vlt.s32 v7, v8  }
0x72: {  	v7 =	vsel vm0, v7, v8  }
0x73: {  	v8 =	vperm.xlane v7, v4;
	_ =	sdelay $0x1  }
0x74: {  	vm0 =	vlt.s32 v7, v8  }
0x75: {  	(v2sf) =	vpush v6, $0x0;
	v7 =	vsel vm0, v7, v8  }
0x76: {  	(v2sf) =	vpush v7, $0x0;
	_ =	sdelay $0xa  }
.Ltmp8:
0x77: {  	_ = 	snop;
	(pc) =	sbr.rel .LBB2_10-.Ltmp8, $3  }
0x78: {  	_ =	sdelay $0x1  }
0x79: {  	s24 =	spop (v2sf)  }
0x7a: {  	s22 =	simm.s32 $0x0;
	s23 =	spop (v2sf)  }
.LBB2_15:
0x7b: {  	v8 =	vnsel vm0, $0x40000000, v8  }
0x7c: {  	vm0 =	vlt.s32 v7, v8  }
0x7d: {  	v7 =	vsel vm0, v7, v8  }
0x7e: {  	v8 =	vperm.xlane v7, v0;
	_ =	sdelay $0x1  }
0x7f: {  	vm0 =	vlt.s32 v7, v8  }
0x80: {  	v7 =	vsel vm0, v7, v8  }
0x81: {  	v8 =	vperm.xlane v7, v1;
	_ =	sdelay $0x1  }
0x82: {  	vm0 =	vlt.s32 v7, v8  }
0x83: {  	v7 =	vsel vm0, v7, v8  }
0x84: {  	v8 =	vperm.xlane v7, v2;
	_ =	sdelay $0x1  }
0x85: {  	vm0 =	vlt.s32 v7, v8  }
0x86: {  	v7 =	vsel vm0, v7, v8  }
0x87: {  	v8 =	vperm.xlane v7, v4;
	_ =	sdelay $0x1  }
0x88: {  	vm0 =	vlt.s32 v7, v8  }
0x89: {  	(v2sf) =	vpush v6, $0x0;
	v7 =	vsel vm0, v7, v8  }
0x8a: {  	(v2sf) =	vpush v7, $0x0;
	_ =	sdelay $0xd  }
0x8b: {  	s24 =	spop (v2sf)  }
0x8c: {  	s23 =	spop (v2sf)  }
.LBB2_16:
0x8d: {  	s22 =	sadd.s32 $0x1, s22  }
0x8e: {  	p0 =	sne.s32 s22, $0x400  }
.Ltmp9:
0x8f: {  	_ = 	snop;
	(pc) =	sbr.rel @!p0 .LBB2_17-.Ltmp9, $1  }
0x90: {  	_ =	sdelay $0x3  }
.LBB2_10:
0x91: {  	p0 =	sgt.f32 s24, $-5.000000000e-01  }
.Ltmp10:
0x92: {  	_ = 	snop;
	(pc) =	sbr.rel @!p0 .LBB2_16-.Ltmp10, $1  }
0x93: {  	_ =	sdelay $0x3  }
0x94: {  	s24 =	sand.u32 $0xF, s23  }
0x95: {  	s25 =	sshra.s32 s23, $0x1F;
	p0 =	slt.s32 s23, $0x1;
	p1 =	sne.s32 s24, $0x0  }
0x96: {  	s30 =	sshrl.u32 s25, $0x1C;
	p0 =	por !p0, !p1  }
0x97: {  	s25 =	simm.s32 $0x1;
	s24 =	sadd.s32 s30, s23;
	p0 =	por !p0, !p0  }
0x98: {  	s24 =	sshrl.u32 s24, $0x4;
	s25 =	simm.s32 @!p0 $0x0  }
0x99: {  	s24 =	ssub.s32 s24, s25  }
0x9a: {  	s24 =	sshll.u32 s24, $0x4  }
0x9b: {  	v6 =	vld [tilespmem:s24+$0x1800];
	_ =	sdelay $0x1  }
0x9c: {  	s31 =	ssub.s32 s23, s24  }
0x9d: {  	v8 =	vld [tilespmem:s24+$0x400];
	v7 =	vmov s31  }
0x9e: {  	v9 =	vld [tilespmem:s24+$0x800];
	vm0 =	veq.s32 v7, v5  }
0x9f: {  	v11 =	vld [tilespmem:s24+$0xC00];
	v6 =	vsel vm0, $0x3F800000, v6  }
0xa0: {  	s25 =	simm.s32 $0x0;
	v12 =	vld [tilespmem:s24+$0x1000];
	[tilespmem:s24+$0x1800] =	vst v6  }
0xa1: {  	v13 =	vld [tilespmem:s25+$0x400]  }
0xa2: {  	v14 =	vld [tilespmem:s25+$0x800]  }
0xa3: {  	v15 =	vld [tilespmem:s25+$0xC00]  }
0xa4: {  	v16 =	vld [tilespmem:s25+$0x1000]  }
0xa5: {  	v17 =	vand.u32 $0xF, v7  }
0xa6: {  	v10 =	vperm.xlane v8, v17;
	v7 =	vperm.xlane v12, v17;
	v8 =	vld [tilespmem:s24+$0x1400]  }
0xa7: {  	s23 =	simm.s32 $0x10;
	v6 =	vperm.xlane v9, v17;
	v9 =	vperm.xlane v11, v17;
	v12 =	vld [tilespmem:s25+$0x1400]  }
0xa8: {  	v18 =	vld [tilespmem:s23+$0x800];
	v11 =	vmax.f32 v10, v13  }
0xa9: {  	v13 =	vld [tilespmem:s23+$0x400];
	v15 =	vmin.f32 v9, v15;
	v14 =	vmax.f32 v6, v14;
	v16 =	vmin.f32 v7, v16  }
0xaa: {  	v11 =	vsub.f32 v15, v11;
	v14 =	vsub.f32 v16, v14;
	v15 =	vld [tilespmem:s23+$0xC00]  }
0xab: {  	v16 =	vld [tilespmem:s23+$0x1000]  }
0xac: {  	v8 =	vperm.xlane v8, v17;
	v11 =	vadd.f32 $1.000000000e+00, v11;
	v14 =	vadd.f32 $1.000000000e+00, v14  }
0xad: {  	s24 =	simm.s32 $0x20  }
0xae: {  	v19 =	vld [tilespmem:s24+$0x400];
	v12 =	vadd.f32 v12, v8;
	v11 =	vmax.f32 v11, $0.0e+00;
	v14 =	vmax.f32 v14, $0.0e+00  }
0xaf: {  	v20 =	vld [tilespmem:s24+$0xC00];
	v14 =	vmul.f32 v14, v11;
	v11 =	vmax.f32 v10, v13;
	v13 =	vmin.f32 v9, v15  }
0xb0: {  	v18 =	vmax.f32 v6, v18;
	v15 =	vld [tilespmem:s24+$0x800];
	v16 =	vmin.f32 v7, v16;
	v11 =	vsub.f32 v13, v11  }
0xb1: {  	v13 =	vsub.f32 v16, v18;
	v16 =	vld [tilespmem:s24+$0x1000];
	v12 =	vsub.f32 v12, v14  }
0xb2: {  	v17 =	vld [tilespmem:s23+$0x1400]  }
0xb3: {  	v11 =	vadd.f32 $1.000000000e+00, v11;
	(erf) = vrcp.f32 v12;
	v12 =	vadd.f32 $1.000000000e+00, v13;
	_ =	sdelay $0x1  }
0xb4: {  	s26 =	simm.s32 $0x30;
	v20 =	vmin.f32 v9, v20;
	v11 =	vmax.f32 v11, $0.0e+00;
	v12 =	vmax.f32 v12, $0.0e+00  }
0xb5: {  	v21 =	vld [tilespmem:s26+$0x800];
	v12 =	vmul.f32 v12, v11;
	v11 =	vmax.f32 v6, v15;
	v15 =	vmin.f32 v7, v16  }
0xb6: {  	v18 =	vld [tilespmem:s24+$0x1400];
	v13 =	vadd.f32 v17, v8;
	v17 =	vmax.f32 v10, v19;
	v11 =	vsub.f32 v15, v11  }
0xb7: {  	v19 =	vld [tilespmem:s26+$0x400];
	v16 =	vsub.f32 v20, v17  }
0xb8: {  	v20 =	vld [tilespmem:s26+$0xC00];
	v13 =	vsub.f32 v13, v12;
	v23 =	vadd.f32 $1.000000000e+00, v11  }
0xb9: {  	v22 =	vld [tilespmem:s26+$0x1000]  }
0xba: {  	v16 =	vadd.f32 $1.000000000e+00, v16;
	(erf) = vrcp.f32 v13  }
0xbb: {  	v21 =	vmax.f32 v6, v21;
	v24 =	vadd.f32 v18, v8;
	v17 =	vld [tilespmem:s25+$0x0]  }
0xbc: {  	s28 =	simm.s32 $0x40;
	v15 =	vld [tilespmem:s26+$0x1400];
	v18 =	vmax.f32 v10, v19;
	v13 =	vmax.f32 v16, $0.0e+00;
	v19 =	vmax.f32 v23, $0.0e+00;
	v23 =	vpop (erf)  }
0xbd: {  	v16 =	vld [tilespmem:s28+$0x400];
	v20 =	vmin.f32 v9, v20;
	v13 =	vmul.f32 v19, v13;
	v23 =	vmul.f32 v23, v14  }
0xbe: {  	v22 =	vmin.f32 v7, v22;
	v11 =	vimm.f32 $-2.000000000e+00;
	v19 =	vsub.f32 v20, v18;
	v18 =	vld [tilespmem:s28+$0xC00]  }
0xbf: {  	s29 =	simm.s32 $0x140;
	v20 =	vsub.f32 v22, v21;
	v14 =	vld [tilespmem:s28+$0x800];
	v21 =	vsub.f32 v24, v13;
	vm0 =	vgt.f32 v23, $3.000000120e-01  }
.LBB2_12:
0xc0: {  	p0 =	sne.s32 s29, $0xFC0;
	v22 =	vld [tilespmem:s28+$0x1000];
	v23 =	vsel vm0, $0xBF800000, v17  }
0xc1: {  	v19 =	vadd.f32 $1.000000000e+00, v19;
	v20 =	vadd.f32 $1.000000000e+00, v20;
	(erf) = vrcp.f32 v21;
	[tilespmem:s25+$0x0] =	vst v23;
	s25 =	smov.u32 s23;
	s23 =	smov.u32 s24;
	s24 =	smov.u32 s26  }
.Ltmp11:
0xc2: {  	v21 =	vadd.f32 v15, v8;
	v11 =	vmax.f32 v11, v23;
	s26 =	smov.u32 s28;
	v17 =	vld [tilespmem:s25+$0x0];
	(pc) =	sbr.rel @p0 .LBB2_12-.Ltmp11, $4  }
0xc3: {  	s28 =	sshra.s32 s29, $0x2;
	v23 =	vmax.f32 v10, v16;
	v19 =	vmax.f32 v19, $0.0e+00;
	v15 =	vld [tilespmem:s26+$0x1400];
	v20 =	vmax.f32 v20, $0.0e+00;
	v24 =	vpop (erf)  }
0xc4: {  	v16 =	vld [tilespmem:s28+$0x400];
	v18 =	vmin.f32 v9, v18;
	v24 =	vmul.f32 v24, v12;
	v12 =	vmovc v13;
	v13 =	vmul.f32 v20, v19  }
0xc5: {  	v20 =	vmax.f32 v6, v14;
	v14 =	vld [tilespmem:s28+$0x800];
	v22 =	vmin.f32 v7, v22;
	v19 =	vsub.f32 v18, v23  }
0xc6: {  	s29 =	sadd.s32 $0x40, s29;
	v18 =	vld [tilespmem:s28+$0xC00];
	v20 =	vsub.f32 v22, v20;
	v21 =	vsub.f32 v21, v13;
	vm0 =	vgt.f32 v24, $3.000000120e-01  }
0xc7: {  	v22 =	vld [tilespmem:s28+$0x1000];
	v17 =	vsel vm0, $0xBF800000, v17  }
0xc8: {  	v19 =	vadd.f32 $1.000000000e+00, v19;
	v20 =	vadd.f32 $1.000000000e+00, v20;
	(erf) = vrcp.f32 v21;
	[tilespmem:s25+$0x0] =	vst v17  }
0xc9: {  	v15 =	vadd.f32 v15, v8;
	v59 =	vld [tilespmem:s23+$0x0]  }
0xca: {  	v10 =	vmax.f32 v10, v16;
	v60 =	vmax.f32 v19, $0.0e+00;
	v61 =	vmax.f32 v20, $0.0e+00;
	v62 =	vpop (erf)  }
0xcb: {  	v9 =	vmin.f32 v9, v18;
	v16 =	vmul.f32 v61, v60;
	v12 =	vmul.f32 v62, v12  }
0xcc: {  	v6 =	vmax.f32 v6, v14;
	v7 =	vmin.f32 v7, v22;
	v9 =	vsub.f32 v9, v10  }
0xcd: {  	v10 =	vld [tilespmem:s28+$0x1400];
	v6 =	vsub.f32 v7, v6;
	v7 =	vsub.f32 v15, v16;
	vm0 =	vgt.f32 v12, $3.000000120e-01  }
0xce: {  	v12 =	vsel vm0, $0xBF800000, v59  }
0xcf: {  	v9 =	vadd.f32 $1.000000000e+00, v9;
	v6 =	vadd.f32 $1.000000000e+00, v6;
	(erf) = vrcp.f32 v7;
	[tilespmem:s23+$0x0] =	vst v12  }
0xd0: {  	v7 =	vld [tilespmem:s24+$0x0]  }
0xd1: {  	v9 =	vmax.f32 v9, $0.0e+00;
	v6 =	vmax.f32 v6, $0.0e+00;
	v63 =	vpop (erf)  }
0xd2: {  	v8 =	vadd.f32 v10, v8;
	v6 =	vmul.f32 v6, v9;
	v9 =	vmul.f32 v63, v13;
	_ =	sdelay $0x1  }
0xd3: {  	v8 =	vsub.f32 v8, v6;
	vm0 =	vgt.f32 v9, $3.000000120e-01  }
0xd4: {  	v7 =	vsel vm0, $0xBF800000, v7  }
0xd5: {  	(erf) = vrcp.f32 v8;
	[tilespmem:s24+$0x0] =	vst v7  }
0xd6: {  	v8 =	vld [tilespmem:s26+$0x0]  }
0xd7: {  	v9 =	vpop (erf)  }
0xd8: {  	v9 =	vmul.f32 v9, v16;
	_ =	sdelay $0x1  }
0xd9: {  	vm0 =	vgt.f32 v9, $3.000000120e-01  }
0xda: {  	v8 =	vsel vm0, $0xBF800000, v8  }
0xdb: {  	[tilespmem:s26+$0x0] =	vst v8  }
0xdc: {  	v9 =	vld [tilespmem:s28+$0x0]  }
0xdd: {  	v10 =	vpop (erf)  }
0xde: {  	v11 =	vmax.f32 v11, v17;
	v6 =	vmul.f32 v10, v6  }
0xdf: {  	v10 =	vmax.f32 v11, v12  }
0xe0: {  	v7 =	vmax.f32 v10, v7;
	vm0 =	vgt.f32 v6, $3.000000120e-01  }
0xe1: {  	v6 =	vmax.f32 v7, v8;
	v7 =	vsel vm0, $0xBF800000, v9  }
0xe2: {  	v6 =	vmax.f32 v6, v7  }
0xe3: {  	v8 =	vperm.xlane v6, v0;
	_ =	sdelay $0x1  }
0xe4: {  	v6 =	vmax.f32 v6, v8  }
0xe5: {  	v8 =	vperm.xlane v6, v1;
	_ =	sdelay $0x1  }
0xe6: {  	v6 =	vmax.f32 v6, v8  }
0xe7: {  	s31 =	simm.s32 $0x0;
	[tilespmem:s28+$0x0] =	vst v7;
	v7 =	vperm.xlane v6, v2  }
0xe8: {  	v8 =	vld [tilespmem:s31+$0x0]  }
0xe9: {  	v6 =	vmax.f32 v6, v7  }
0xea: {  	v7 =	vperm.xlane v6, v4;
	_ =	sdelay $0x1  }
0xeb: {  	v6 =	vmax.f32 v6, v7  }
0xec: {  	s23 =	simm.s32 $0x10;
	s24 =	simm.s32 $0x10;
	v7 =	vimm.s32 $0x40000000;
	vm0 =	veq.f32 v8, v6;
	v8 =	vor.u32 s31, v5  }
.LBB2_14:
0xed: {  	v9 =	vld [tilespmem:s24+$0x0];
	p0 =	sne.s32 s23, $0x3F0;
	v8 =	vnsel vm0, $0x40000000, v8;
	s25 =	smov.u32 s23;
	s23 =	sadd.s32 $0x10, s23  }
.Ltmp12:
0xee: {  	vm0 =	vlt.s32 v7, v8;
	(pc) =	sbr.rel @p0 .LBB2_14-.Ltmp12, $2  }
0xef: {  	v7 =	vsel vm0, v7, v8;
	_ =	sdelay $0x2  }
0xf0: {  	s24 =	sadd.s32 $0x10, s24;
	v8 =	vor.u32 s25, v5;
	vm0 =	veq.f32 v9, v6  }
.Ltmp13:
0xf1: {  	_ = 	snop;
	(pc) =	sbr.rel .LBB2_15-.Ltmp13, $1  }
0xf2: {  	_ =	sdelay $0x3  }
.LBB2_20:
0xf3: {  	_ =	sfence.sel $0x180000  }
0xf4: {  	[bflag:$0x0] =	sbarrier.arrive $0xFFFF  }
0xf5: {  	p0 =	sne.s32 s6, $0x0;
	_ =	strace $0x90000047  }
0xf6: {  	s0 =	sadd.s32 @!p0 $0x100000, s0;
	[bflag:$0x2] =	sbarrier.arrive $0xFFFF  }
0xf7: {  	[sflag:s0] =	ssyncadd.tile.s32 @!p0 $0x1;
	_ =	shalt  }
.Lfunc_end2:
_tile_overlayer_lowered:
.L_overlay_start_2:
0xf8: {  	(tag) =	ssettag $0x2  }
0xf9: {  	s0 =	rddreg [dreg:$0x0];
	s2 =	stileid.u32  }
0xfa: {  	s1 =	rddreg [dreg:$0x1];
	p0 =	sne.s32 s2, $0x0  }
0xfb: {  	s3 =	rddreg [dreg:$0x2];
	[bflag:$0x3] =	sbarrier.arrive $0xFFFF;
	s2 =	simm.s32 @!p0 $0x1C01  }
0xfc: {  	[timem:s3], [sflag:s2] =	dma.local @!p0 [hbm:s0], s1  }
0xfd: {  	s0 =	simm.s32 @!p0 $0x1  }
0xfe: {  	_ =	swait.ge @!p0 [sflag:s0], s1  }
0xff: {  	s1 =	ssub.s32 @!p0 $0x0, s1;
	[sflag:s0] =	ssyncset.done @!p0 $0x0  }
0x100: {  	[sflag:s0] =	ssyncadd.s32 @!p0 s1  }
0x101: {  	[bflag:$0x3] =	sbarrier.arrive $0xFFFF  }
0x102: {  	_ =	shalt  }

</sc_bundles>
